<compile_context>
chip_gen: v7x
topology: tpu7x:2x2x1
jax: 0.10.2.dev20260603
libtpu: 0.0.44.dev20260713+nightly
codegen_flags: <defaults>
</compile_context>

<pallas_src>
import functools

import jax
import jax.numpy as jnp
from jax import lax
from jax.experimental import pallas as pl
from jax.experimental.pallas import tpu as pltpu
from jax.experimental.pallas import tpu_sc as plsc

NUM_PAGES = 8192
TOKENS_PER_PAGE = 32
SLOTS = 32
MAX_PAGES_PER_SLOT = 256

NTILES = 16
CHUNK = NUM_PAGES // NTILES
VREGS = CHUNK // 16
GF = 48
I32 = jnp.int32


@functools.partial(
    pl.kernel,
    out_type=[
        jax.ShapeDtypeStruct((NUM_PAGES,), I32),
        jax.ShapeDtypeStruct((NUM_PAGES,), I32),
        jax.ShapeDtypeStruct((SLOTS,), I32),
        jax.ShapeDtypeStruct((SLOTS,), I32),
        jax.ShapeDtypeStruct((SLOTS,), I32),
        jax.ShapeDtypeStruct((SLOTS,), I32),
    ],
    mesh=plsc.VectorSubcoreMesh(core_axis_name="c", subcore_axis_name="s",
                                num_cores=1),
    compiler_params=pltpu.CompilerParams(needs_layout_passes=False),
    scratch_types=[
        pltpu.VMEM((CHUNK,), I32),
        pltpu.VMEM((CHUNK,), I32),
        pltpu.VMEM((GF,), I32),
        pltpu.VMEM((16,), I32),
        pltpu.VMEM((NTILES * 16,), I32),
        pltpu.VMEM((SLOTS,), I32),
        pltpu.VMEM((GF,), I32),
        pltpu.VMEM((SLOTS,), I32),
        pltpu.VMEM((SLOTS,), I32),
        pltpu.VMEM((SLOTS,), I32),
        pltpu.VMEM((SLOTS,), I32),
        pltpu.VMEM((SLOTS,), I32),
        pltpu.VMEM((SLOTS,), I32),
        pltpu.VMEM_SHARED((NTILES * 16,), I32),
        pltpu.VMEM_SHARED((GF,), I32),
        pltpu.SemaphoreType.DMA,
        pltpu.SemaphoreType.DMA,
        pltpu.SemaphoreType.DMA,
        pltpu.SemaphoreType.DMA,
        pltpu.SemaphoreType.DMA,
    ],
)
def _page_alloc(ps_in, pm_in, seq_in, npu_in, cp_in,
                ps_out, pm_out, seq_out, npu_out, cp_out, pos_out,
                ps_v, pm_v, fl_v, ct_v, cnt_all, rk_v, gf_v,
                sq_v, nu_v, cp_v, po_v, ix_v, og_v,
                sh_cnt, sh_gf, sem_a, sem_b, sem_c, sem_d, sem_e):
    s = lax.axis_index("s")
    i16 = lax.iota(I32, 16)
    base = s * CHUNK

    ps_in_cp = pltpu.async_copy(ps_in.at[pl.ds(base, CHUNK)], ps_v, sem_a)
    pm_cp = pltpu.async_copy(pm_in.at[pl.ds(base, CHUNK)],
                             pm_out.at[pl.ds(base, CHUNK)], sem_b)
    sq_cp = pltpu.async_copy(seq_in, sq_v, sem_c)
    nu_cp = pltpu.async_copy(npu_in, nu_v, sem_d)

    ps_in_cp.wait()
    off = jnp.zeros((16,), I32)
    BLK = 8
    for blk in range(0, VREGS, BLK):
        vs = [ps_v[pl.ds((blk + t) * 16, 16)] for t in range(BLK)]
        ms = [v == 0 for v in vs]
        mis = [jnp.where(m, 1, 0) for m in ms]
        css = [plsc.cumsum(mi) for mi in mis]
        pcs = [plsc.all_reduce_population_count(m) for m in ms]
        offs = [off]
        for t in range(1, BLK):
            offs.append(offs[t - 1] + pcs[t - 1])
        off = offs[BLK - 1] + pcs[BLK - 1]
        for t in range(BLK):
            pos = offs[t] + css[t] - mis[t]
            gidx = base + (blk + t) * 16 + i16
            plsc.store_scatter(fl_v, [jnp.minimum(pos, GF - 1)], gidx,
                               mask=ms[t])
    ct_v[...] = off
    pltpu.sync_copy(ct_v, sh_cnt.at[pl.ds(s * 16, 16)])

    sq_cp.wait()
    nu_cp.wait()
    s0 = sq_v[pl.ds(0, 16)]
    s1 = sq_v[pl.ds(16, 16)]
    u0 = nu_v[pl.ds(0, 16)]
    u1 = nu_v[pl.ds(16, 16)]
    ns0 = s0 + jnp.where(s0 > 0, 1, 0)
    ns1 = s1 + jnp.where(s1 > 0, 1, 0)
    nn0 = (ns0 + (TOKENS_PER_PAGE - 1)) >> 5
    nn1 = (ns1 + (TOKENS_PER_PAGE - 1)) >> 5
    nd0 = nn0 > u0
    nd1 = nn1 > u1
    di0 = jnp.where(nd0, 1, 0)
    di1 = jnp.where(nd1, 1, 0)
    r0 = plsc.cumsum(di0) - di0
    sum0 = jnp.sum(di0)
    r1 = plsc.cumsum(di1) - di1 + sum0
    total_need = sum0 + jnp.sum(di1)

    @pl.when(s == 1)
    def _seq():
        sq_v[pl.ds(0, 16)] = ns0
        sq_v[pl.ds(16, 16)] = ns1
        pltpu.async_copy(sq_v, seq_out, sem_e).wait()

    @pl.when(s == 2)
    def _npu():
        nu_v[pl.ds(0, 16)] = nn0
        nu_v[pl.ds(16, 16)] = nn1
        pltpu.async_copy(nu_v, npu_out, sem_e).wait()

    @pl.when(s == 3)
    def _pos():
        po_v[pl.ds(0, 16)] = jnp.where(ns0 > 0,
                                       (ns0 - 1) & (TOKENS_PER_PAGE - 1), 0)
        po_v[pl.ds(16, 16)] = jnp.where(ns1 > 0,
                                        (ns1 - 1) & (TOKENS_PER_PAGE - 1), 0)
        pltpu.async_copy(po_v, pos_out, sem_e).wait()

    @pl.when(s == 0)
    def _pm_prefetch():
        col0 = jnp.maximum(nn0 - 1, 0)
        col1 = jnp.maximum(nn1 - 1, 0)
        ix_v[pl.ds(0, 16)] = i16 * MAX_PAGES_PER_SLOT + col0
        ix_v[pl.ds(16, 16)] = (16 + i16) * MAX_PAGES_PER_SLOT + col1
        pltpu.async_copy(pm_in.at[ix_v], og_v, sem_e).wait()

    @pl.when(s == 4)
    def _cp_prefetch():
        pltpu.async_copy(cp_in, cp_v, sem_e).wait()

    plsc.subcore_barrier()

    pltpu.sync_copy(sh_cnt, cnt_all)
    cnt = plsc.load_gather(cnt_all, [i16 * 16])
    incl = plsc.cumsum(cnt)
    prefix = incl - cnt
    total_free = jnp.max(incl)
    my_prefix = jnp.sum(jnp.where(i16 == s, prefix, 0))
    n_alloc = jnp.minimum(total_need, total_free)

    for half in range(2):
        k = half * 16 + i16
        gpos = my_prefix + k
        keep = (k < off) & (gpos < SLOTS)
        rk_v[pl.ds(half * 16, 16)] = jnp.where(keep, gpos, GF - 1)
    pltpu.sync_copy(fl_v.at[pl.ds(0, SLOTS)], sh_gf.at[rk_v])
    lim = n_alloc - my_prefix
    ones = jnp.full((16,), 1, I32)
    for half in range(2):
        k = half * 16 + i16
        pages = fl_v[pl.ds(half * 16, 16)]
        mk = (k < off) & (k < lim)
        loc = jnp.clip(pages - base, 0, CHUNK - 1)
        plsc.store_scatter(ps_v, [loc], ones, mask=mk)
    ps_out_cp = pltpu.async_copy(ps_v, ps_out.at[pl.ds(base, CHUNK)], sem_a)
    pm_cp.wait()
    plsc.subcore_barrier()

    @pl.when(s == 4)
    def _cp():
        pltpu.sync_copy(sh_gf, gf_v)
        asg0 = plsc.load_gather(gf_v, [jnp.minimum(r0, GF - 1)])
        asg1 = plsc.load_gather(gf_v, [jnp.minimum(r1, GF - 1)])
        got0 = nd0 & (r0 < n_alloc)
        got1 = nd1 & (r1 < n_alloc)
        c0 = cp_v[pl.ds(0, 16)]
        c1 = cp_v[pl.ds(16, 16)]
        cp_v[pl.ds(0, 16)] = jnp.where(got0, asg0, c0)
        cp_v[pl.ds(16, 16)] = jnp.where(got1, asg1, c1)
        pltpu.sync_copy(cp_v, cp_out)

    @pl.when(s == 0)
    def _pm():
        pltpu.sync_copy(sh_gf, gf_v)
        asg0 = plsc.load_gather(gf_v, [jnp.minimum(r0, GF - 1)])
        asg1 = plsc.load_gather(gf_v, [jnp.minimum(r1, GF - 1)])
        got0 = nd0 & (r0 < n_alloc)
        got1 = nd1 & (r1 < n_alloc)
        g0 = og_v[pl.ds(0, 16)]
        g1 = og_v[pl.ds(16, 16)]
        og_v[pl.ds(0, 16)] = jnp.where(got0, asg0, g0)
        og_v[pl.ds(16, 16)] = jnp.where(got1, asg1, g1)
        pltpu.async_copy(og_v, pm_out.at[ix_v], sem_e).wait()

    ps_out_cp.wait()


def kernel(page_status, page_map, sequence_lengths, num_pages_used,
           current_page, current_page_position):
    ps, pmf, ns, nn, cp, npos = _page_alloc(
        page_status, page_map.reshape(NUM_PAGES), sequence_lengths,
        num_pages_used, current_page)
    return (ps, pmf.reshape(SLOTS, MAX_PAGES_PER_SLOT), ns, nn, cp, npos)

# --- scband reference (transcript-rebuilt; emitter-appended) ---
"""Pipeline reference for scband-page-manager-21122649162585 (READ-ONLY COPY).

The authoritative reference and input builder live on the scoring server;
editing this copy changes nothing except your own understanding.
"""

import jax, jax.numpy as jnp
import numpy as np

NUM_PAGES = 8192
TOKENS_PER_PAGE = 32
SLOTS = 32
MAX_PAGES_PER_SLOT = 256


def setup_inputs():
    rng = np.random.default_rng(0)
    seq_lens = rng.integers(1, 4096, size=(SLOTS,)).astype(np.int32)
    page_status = np.zeros((NUM_PAGES,), np.int32)
    page_map = np.full((SLOTS, MAX_PAGES_PER_SLOT), -1, np.int32)
    num_pages_used = ((seq_lens + TOKENS_PER_PAGE - 1) // TOKENS_PER_PAGE).astype(np.int32)
    current_page = np.full((SLOTS,), -1, np.int32)
    next_free = 0
    for s in range(SLOTS):
        n = int(num_pages_used[s])
        pages = np.arange(next_free, next_free + n, dtype=np.int32)
        page_map[s, :n] = pages
        page_status[pages] = 1
        next_free += n
        if n > 0:
            current_page[s] = pages[-1]
    current_page_position = np.where(seq_lens > 0, (seq_lens - 1) % TOKENS_PER_PAGE, 0).astype(np.int32)
    return {
        'page_status': jnp.asarray(page_status),
        'page_map': jnp.asarray(page_map),
        'sequence_lengths': jnp.asarray(seq_lens),
        'num_pages_used': jnp.asarray(num_pages_used),
        'current_page': jnp.asarray(current_page),
        'current_page_position': jnp.asarray(current_page_position),
    }


def find_next_free_page(page_status):
    free_pages = jnp.where(page_status == 0, size=1, fill_value=-1)[0]
    return jnp.where(free_pages[0] == -1, -2, free_pages[0])


def reference(page_status, page_map, sequence_lengths, num_pages_used, current_page, current_page_position):
    # Autoregressive decode-step page reservation (reserve_decode_step_pages):
    # active slots advance by one token; slots crossing a page boundary get a
    # newly allocated page (find next free page, mark used, record in page_map).
    new_seq = sequence_lengths + jnp.where(sequence_lengths > 0, 1, 0).astype(sequence_lengths.dtype)
    new_num_pages = ((new_seq + TOKENS_PER_PAGE - 1) // TOKENS_PER_PAGE).astype(jnp.int32)
    new_pos = jnp.where(new_seq > 0, (new_seq - 1) % TOKENS_PER_PAGE, 0).astype(jnp.int32)
    needs_new = new_num_pages > num_pages_used

    def body(i, carry):
        ps, pm, cp = carry

        def alloc(args):
            ps_, pm_, cp_ = args
            nfp = find_next_free_page(ps_)
            ps2 = jax.lax.cond(nfp == -2, lambda p: p, lambda p: p.at[nfp].set(1), ps_)
            pm2 = jax.lax.cond(nfp == -2, lambda p: p, lambda p: p.at[i, new_num_pages[i] - 1].set(nfp), pm_)
            cp2 = jax.lax.cond(nfp == -2, lambda c: c, lambda c: c.at[i].set(nfp), cp_)
            return (ps2, pm2, cp2)

        return jax.lax.cond(needs_new[i], alloc, lambda a: a, (ps, pm, cp))

    ps, pm, cp = jax.lax.fori_loop(0, SLOTS, body, (page_status, page_map, current_page))
    return (ps, pm, new_seq, new_num_pages, cp, new_pos)

if __name__ == "__main__":
    import jax
    _d = setup_inputs()
    print(jax.jit(kernel)(*tuple(_d.values())))

</pallas_src>

<mosaic_0001>
#map = affine_map<(d0, d1) -> (0)>
module attributes {stable_mosaic.version = 14 : i64} {
  func.func @_page_alloc(%arg0: i32, %arg1: i32, %arg2: memref<8192xi32, #tpu.memory_space<hbm>>, %arg3: memref<8192xi32, #tpu.memory_space<hbm>>, %arg4: memref<32xi32, #tpu.memory_space<hbm>>, %arg5: memref<32xi32, #tpu.memory_space<hbm>>, %arg6: memref<32xi32, #tpu.memory_space<hbm>>, %arg7: memref<8192xi32, #tpu.memory_space<hbm>>, %arg8: memref<8192xi32, #tpu.memory_space<hbm>>, %arg9: memref<32xi32, #tpu.memory_space<hbm>>, %arg10: memref<32xi32, #tpu.memory_space<hbm>>, %arg11: memref<32xi32, #tpu.memory_space<hbm>>, %arg12: memref<32xi32, #tpu.memory_space<hbm>>, %arg13: memref<512xi32, #tpu.memory_space<vmem>>, %arg14: memref<512xi32, #tpu.memory_space<vmem>>, %arg15: memref<48xi32, #tpu.memory_space<vmem>>, %arg16: memref<16xi32, #tpu.memory_space<vmem>>, %arg17: memref<256xi32, #tpu.memory_space<vmem>>, %arg18: memref<32xi32, #tpu.memory_space<vmem>>, %arg19: memref<48xi32, #tpu.memory_space<vmem>>, %arg20: memref<32xi32, #tpu.memory_space<vmem>>, %arg21: memref<32xi32, #tpu.memory_space<vmem>>, %arg22: memref<32xi32, #tpu.memory_space<vmem>>, %arg23: memref<32xi32, #tpu.memory_space<vmem>>, %arg24: memref<32xi32, #tpu.memory_space<vmem>>, %arg25: memref<32xi32, #tpu.memory_space<vmem>>, %arg26: memref<256xi32, #tpu.memory_space<vmem_shared>>, %arg27: memref<48xi32, #tpu.memory_space<vmem_shared>>, %arg28: memref<!tpu.dma_semaphore, #tpu.memory_space<semaphore_mem>>, %arg29: memref<!tpu.dma_semaphore, #tpu.memory_space<semaphore_mem>>, %arg30: memref<!tpu.dma_semaphore, #tpu.memory_space<semaphore_mem>>, %arg31: memref<!tpu.dma_semaphore, #tpu.memory_space<semaphore_mem>>, %arg32: memref<!tpu.dma_semaphore, #tpu.memory_space<semaphore_mem>>) attributes {dimension_semantics = [#tpu.dimension_semantics<core_parallel>, #tpu.dimension_semantics<subcore_parallel>], iteration_bounds = array<i64: 1, 16>, scalar_prefetch = 0 : i64, scratch_operands = 20 : i64, tpu.core_type = #tpu.core_type<sc_vector_subcore>, window_params = [{transform_indices = #map}, {transform_indices = #map}, {transform_indices = #map}, {transform_indices = #map}, {transform_indices = #map}, {transform_indices = #map}, {transform_indices = #map}, {transform_indices = #map}, {transform_indices = #map}, {transform_indices = #map}, {transform_indices = #map}]} {
    %iota3A = tpu.iota {dimensions = array<i32: 0>} : vector<16xi32>
    %mul3A = arith.constant 512 : i32
    %mul3A_0 = arith.muli %arg1, %mul3A : i32
    %dma_start3A = tpu.memref_slice %arg2[%mul3A_0] : memref<8192xi32, #tpu.memory_space<hbm>> -> memref<512xi32, #tpu.memory_space<hbm>>
    %dma_start3A_1 = tpu.memref_slice %arg2[%mul3A_0] : memref<8192xi32, #tpu.memory_space<hbm>> -> memref<512xi32, #tpu.memory_space<hbm>>
    tpu.enqueue_dma source(%dma_start3A_1 : memref<512xi32, #tpu.memory_space<hbm>>) target(%arg13 : memref<512xi32, #tpu.memory_space<vmem>>) target_semaphore(%arg28 : memref<!tpu.dma_semaphore, #tpu.memory_space<semaphore_mem>>)
    %dma_start3A_2 = tpu.memref_slice %arg8[%mul3A_0] : memref<8192xi32, #tpu.memory_space<hbm>> -> memref<512xi32, #tpu.memory_space<hbm>>
    %dma_start3A_3 = tpu.memref_slice %arg3[%mul3A_0] : memref<8192xi32, #tpu.memory_space<hbm>> -> memref<512xi32, #tpu.memory_space<hbm>>
    tpu.enqueue_dma source(%dma_start3A_3 : memref<512xi32, #tpu.memory_space<hbm>>) target(%dma_start3A_2 : memref<512xi32, #tpu.memory_space<hbm>>) target_semaphore(%arg29 : memref<!tpu.dma_semaphore, #tpu.memory_space<semaphore_mem>>)
    tpu.enqueue_dma source(%arg4 : memref<32xi32, #tpu.memory_space<hbm>>) target(%arg20 : memref<32xi32, #tpu.memory_space<vmem>>) target_semaphore(%arg30 : memref<!tpu.dma_semaphore, #tpu.memory_space<semaphore_mem>>)
    tpu.enqueue_dma source(%arg5 : memref<32xi32, #tpu.memory_space<hbm>>) target(%arg21 : memref<32xi32, #tpu.memory_space<vmem>>) target_semaphore(%arg31 : memref<!tpu.dma_semaphore, #tpu.memory_space<semaphore_mem>>)
    %dma_wait3A = tpu.memref_slice %arg2[%mul3A_0] : memref<8192xi32, #tpu.memory_space<hbm>> -> memref<512xi32, #tpu.memory_space<hbm>>
    %dma_wait3A_4 = tpu.memref_slice %arg2[%mul3A_0] : memref<8192xi32, #tpu.memory_space<hbm>> -> memref<512xi32, #tpu.memory_space<hbm>>
    tpu.wait_dma2 semaphore(%arg28 : memref<!tpu.dma_semaphore, #tpu.memory_space<semaphore_mem>>) src(%dma_wait3A_4 : memref<512xi32, #tpu.memory_space<hbm>>) dst(%arg13 : memref<512xi32, #tpu.memory_space<vmem>>)
    %broadcast_in_dim3A = arith.constant 0 : i32
    %broadcast_in_dim3A_5 = vector.broadcast %broadcast_in_dim3A : i32 to vector<16xi32>
    %get3A = arith.constant 0 : index
    %get3A_6 = tpu.vector_load %arg13[%get3A] {strides = array<i32>} : memref<512xi32, #tpu.memory_space<vmem>>, vector<16xi32>,
    %get3A_7 = arith.constant 16 : index
    %get3A_8 = tpu.vector_load %arg13[%get3A_7] {strides = array<i32>} : memref<512xi32, #tpu.memory_space<vmem>>, vector<16xi32>,
    %get3A_9 = arith.constant 32 : index
    %get3A_10 = tpu.vector_load %arg13[%get3A_9] {strides = array<i32>} : memref<512xi32, #tpu.memory_space<vmem>>, vector<16xi32>,
    %get3A_11 = arith.constant 48 : index
    %get3A_12 = tpu.vector_load %arg13[%get3A_11] {strides = array<i32>} : memref<512xi32, #tpu.memory_space<vmem>>, vector<16xi32>,
    %get3A_13 = arith.constant 64 : index
    %get3A_14 = tpu.vector_load %arg13[%get3A_13] {strides = array<i32>} : memref<512xi32, #tpu.memory_space<vmem>>, vector<16xi32>,
    %get3A_15 = arith.constant 80 : index
    %get3A_16 = tpu.vector_load %arg13[%get3A_15] {strides = array<i32>} : memref<512xi32, #tpu.memory_space<vmem>>, vector<16xi32>,
    %get3A_17 = arith.constant 96 : index
    %get3A_18 = tpu.vector_load %arg13[%get3A_17] {strides = array<i32>} : memref<512xi32, #tpu.memory_space<vmem>>, vector<16xi32>,
    %get3A_19 = arith.constant 112 : index
    %get3A_20 = tpu.vector_load %arg13[%get3A_19] {strides = array<i32>} : memref<512xi32, #tpu.memory_space<vmem>>, vector<16xi32>,
    %eq3A = arith.constant 0 : i32
    %eq3A_21 = vector.broadcast %eq3A : i32 to vector<16xi32>
    %eq3A_22 = arith.cmpi eq, %get3A_6, %eq3A_21 : vector<16xi32>
    %eq3A_23 = arith.constant 0 : i32
    %eq3A_24 = vector.broadcast %eq3A_23 : i32 to vector<16xi32>
    %eq3A_25 = arith.cmpi eq, %get3A_8, %eq3A_24 : vector<16xi32>
    %eq3A_26 = arith.constant 0 : i32
    %eq3A_27 = vector.broadcast %eq3A_26 : i32 to vector<16xi32>
    %eq3A_28 = arith.cmpi eq, %get3A_10, %eq3A_27 : vector<16xi32>
    %eq3A_29 = arith.constant 0 : i32
    %eq3A_30 = vector.broadcast %eq3A_29 : i32 to vector<16xi32>
    %eq3A_31 = arith.cmpi eq, %get3A_12, %eq3A_30 : vector<16xi32>
    %eq3A_32 = arith.constant 0 : i32
    %eq3A_33 = vector.broadcast %eq3A_32 : i32 to vector<16xi32>
    %eq3A_34 = arith.cmpi eq, %get3A_14, %eq3A_33 : vector<16xi32>
    %eq3A_35 = arith.constant 0 : i32
    %eq3A_36 = vector.broadcast %eq3A_35 : i32 to vector<16xi32>
    %eq3A_37 = arith.cmpi eq, %get3A_16, %eq3A_36 : vector<16xi32>
    %eq3A_38 = arith.constant 0 : i32
    %eq3A_39 = vector.broadcast %eq3A_38 : i32 to vector<16xi32>
    %eq3A_40 = arith.cmpi eq, %get3A_18, %eq3A_39 : vector<16xi32>
    %eq3A_41 = arith.constant 0 : i32
    %eq3A_42 = vector.broadcast %eq3A_41 : i32 to vector<16xi32>
    %eq3A_43 = arith.cmpi eq, %get3A_20, %eq3A_42 : vector<16xi32>
    %jit3A = arith.constant 1 : i32
    %jit3A_44 = arith.constant 0 : i32
    %broadcast_in_dim3A_45 = vector.broadcast %jit3A : i32 to vector<16xi32>
    %broadcast_in_dim3A_46 = vector.broadcast %jit3A_44 : i32 to vector<16xi32>
    %select_n3A = arith.select %eq3A_22, %broadcast_in_dim3A_45, %broadcast_in_dim3A_46 : vector<16xi1>, vector<16xi32>
    %jit3A_47 = arith.constant 1 : i32
    %jit3A_48 = arith.constant 0 : i32
    %broadcast_in_dim3A_49 = vector.broadcast %jit3A_47 : i32 to vector<16xi32>
    %broadcast_in_dim3A_50 = vector.broadcast %jit3A_48 : i32 to vector<16xi32>
    %select_n3A_51 = arith.select %eq3A_25, %broadcast_in_dim3A_49, %broadcast_in_dim3A_50 : vector<16xi1>, vector<16xi32>
    %jit3A_52 = arith.constant 1 : i32
    %jit3A_53 = arith.constant 0 : i32
    %broadcast_in_dim3A_54 = vector.broadcast %jit3A_52 : i32 to vector<16xi32>
    %broadcast_in_dim3A_55 = vector.broadcast %jit3A_53 : i32 to vector<16xi32>
    %select_n3A_56 = arith.select %eq3A_28, %broadcast_in_dim3A_54, %broadcast_in_dim3A_55 : vector<16xi1>, vector<16xi32>
    %jit3A_57 = arith.constant 1 : i32
    %jit3A_58 = arith.constant 0 : i32
    %broadcast_in_dim3A_59 = vector.broadcast %jit3A_57 : i32 to vector<16xi32>
    %broadcast_in_dim3A_60 = vector.broadcast %jit3A_58 : i32 to vector<16xi32>
    %select_n3A_61 = arith.select %eq3A_31, %broadcast_in_dim3A_59, %broadcast_in_dim3A_60 : vector<16xi1>, vector<16xi32>
    %jit3A_62 = arith.constant 1 : i32
    %jit3A_63 = arith.constant 0 : i32
    %broadcast_in_dim3A_64 = vector.broadcast %jit3A_62 : i32 to vector<16xi32>
    %broadcast_in_dim3A_65 = vector.broadcast %jit3A_63 : i32 to vector<16xi32>
    %select_n3A_66 = arith.select %eq3A_34, %broadcast_in_dim3A_64, %broadcast_in_dim3A_65 : vector<16xi1>, vector<16xi32>
    %jit3A_67 = arith.constant 1 : i32
    %jit3A_68 = arith.constant 0 : i32
    %broadcast_in_dim3A_69 = vector.broadcast %jit3A_67 : i32 to vector<16xi32>
    %broadcast_in_dim3A_70 = vector.broadcast %jit3A_68 : i32 to vector<16xi32>
    %select_n3A_71 = arith.select %eq3A_37, %broadcast_in_dim3A_69, %broadcast_in_dim3A_70 : vector<16xi1>, vector<16xi32>
    %jit3A_72 = arith.constant 1 : i32
    %jit3A_73 = arith.constant 0 : i32
    %broadcast_in_dim3A_74 = vector.broadcast %jit3A_72 : i32 to vector<16xi32>
    %broadcast_in_dim3A_75 = vector.broadcast %jit3A_73 : i32 to vector<16xi32>
    %select_n3A_76 = arith.select %eq3A_40, %broadcast_in_dim3A_74, %broadcast_in_dim3A_75 : vector<16xi1>, vector<16xi32>
    %jit3A_77 = arith.constant 1 : i32
    %jit3A_78 = arith.constant 0 : i32
    %broadcast_in_dim3A_79 = vector.broadcast %jit3A_77 : i32 to vector<16xi32>
    %broadcast_in_dim3A_80 = vector.broadcast %jit3A_78 : i32 to vector<16xi32>
    %select_n3A_81 = arith.select %eq3A_43, %broadcast_in_dim3A_79, %broadcast_in_dim3A_80 : vector<16xi1>, vector<16xi32>
    %broadcast_in_dim3A_82 = arith.constant true
    %broadcast_in_dim3A_83 = vector.broadcast %broadcast_in_dim3A_82 : i1 to vector<16xi1>
    %masked_cumsum3A = tpu.scan <sum>, %select_n3A masked %broadcast_in_dim3A_83 : vector<16xi32>, vector<16xi1> -> vector<16xi32>
    %broadcast_in_dim3A_84 = arith.constant true
    %broadcast_in_dim3A_85 = vector.broadcast %broadcast_in_dim3A_84 : i1 to vector<16xi1>
    %masked_cumsum3A_86 = tpu.scan <sum>, %select_n3A_51 masked %broadcast_in_dim3A_85 : vector<16xi32>, vector<16xi1> -> vector<16xi32>
    %broadcast_in_dim3A_87 = arith.constant true
    %broadcast_in_dim3A_88 = vector.broadcast %broadcast_in_dim3A_87 : i1 to vector<16xi1>
    %masked_cumsum3A_89 = tpu.scan <sum>, %select_n3A_56 masked %broadcast_in_dim3A_88 : vector<16xi32>, vector<16xi1> -> vector<16xi32>
    %broadcast_in_dim3A_90 = arith.constant true
    %broadcast_in_dim3A_91 = vector.broadcast %broadcast_in_dim3A_90 : i1 to vector<16xi1>
    %masked_cumsum3A_92 = tpu.scan <sum>, %select_n3A_61 masked %broadcast_in_dim3A_91 : vector<16xi32>, vector<16xi1> -> vector<16xi32>
    %broadcast_in_dim3A_93 = arith.constant true
    %broadcast_in_dim3A_94 = vector.broadcast %broadcast_in_dim3A_93 : i1 to vector<16xi1>
    %masked_cumsum3A_95 = tpu.scan <sum>, %select_n3A_66 masked %broadcast_in_dim3A_94 : vector<16xi32>, vector<16xi1> -> vector<16xi32>
    %broadcast_in_dim3A_96 = arith.constant true
    %broadcast_in_dim3A_97 = vector.broadcast %broadcast_in_dim3A_96 : i1 to vector<16xi1>
    %masked_cumsum3A_98 = tpu.scan <sum>, %select_n3A_71 masked %broadcast_in_dim3A_97 : vector<16xi32>, vector<16xi1> -> vector<16xi32>
    %broadcast_in_dim3A_99 = arith.constant true
    %broadcast_in_dim3A_100 = vector.broadcast %broadcast_in_dim3A_99 : i1 to vector<16xi1>
    %masked_cumsum3A_101 = tpu.scan <sum>, %select_n3A_76 masked %broadcast_in_dim3A_100 : vector<16xi32>, vector<16xi1> -> vector<16xi32>
    %broadcast_in_dim3A_102 = arith.constant true
    %broadcast_in_dim3A_103 = vector.broadcast %broadcast_in_dim3A_102 : i1 to vector<16xi1>
    %masked_cumsum3A_104 = tpu.scan <sum>, %select_n3A_81 masked %broadcast_in_dim3A_103 : vector<16xi32>, vector<16xi1> -> vector<16xi32>
    %all_reduce_population_count3A = tpu.all_reduce %eq3A_22 {dim = 0 : i64, kind = #tpu.reduction_kind<sum>} : vector<16xi1> -> vector<16xi32>
    %all_reduce_population_count3A_105 = tpu.all_reduce %eq3A_25 {dim = 0 : i64, kind = #tpu.reduction_kind<sum>} : vector<16xi1> -> vector<16xi32>
    %all_reduce_population_count3A_106 = tpu.all_reduce %eq3A_28 {dim = 0 : i64, kind = #tpu.reduction_kind<sum>} : vector<16xi1> -> vector<16xi32>
    %all_reduce_population_count3A_107 = tpu.all_reduce %eq3A_31 {dim = 0 : i64, kind = #tpu.reduction_kind<sum>} : vector<16xi1> -> vector<16xi32>
    %all_reduce_population_count3A_108 = tpu.all_reduce %eq3A_34 {dim = 0 : i64, kind = #tpu.reduction_kind<sum>} : vector<16xi1> -> vector<16xi32>
    %all_reduce_population_count3A_109 = tpu.all_reduce %eq3A_37 {dim = 0 : i64, kind = #tpu.reduction_kind<sum>} : vector<16xi1> -> vector<16xi32>
    %all_reduce_population_count3A_110 = tpu.all_reduce %eq3A_40 {dim = 0 : i64, kind = #tpu.reduction_kind<sum>} : vector<16xi1> -> vector<16xi32>
    %all_reduce_population_count3A_111 = tpu.all_reduce %eq3A_43 {dim = 0 : i64, kind = #tpu.reduction_kind<sum>} : vector<16xi1> -> vector<16xi32>
    %add3A = arith.addi %broadcast_in_dim3A_5, %all_reduce_population_count3A : vector<16xi32>
    %add3A_112 = arith.addi %add3A, %all_reduce_population_count3A_105 : vector<16xi32>
    %add3A_113 = arith.addi %add3A_112, %all_reduce_population_count3A_106 : vector<16xi32>
    %add3A_114 = arith.addi %add3A_113, %all_reduce_population_count3A_107 : vector<16xi32>
    %add3A_115 = arith.addi %add3A_114, %all_reduce_population_count3A_108 : vector<16xi32>
    %add3A_116 = arith.addi %add3A_115, %all_reduce_population_count3A_109 : vector<16xi32>
    %add3A_117 = arith.addi %add3A_116, %all_reduce_population_count3A_110 : vector<16xi32>
    %add3A_118 = arith.addi %add3A_117, %all_reduce_population_count3A_111 : vector<16xi32>
    %add3A_119 = arith.addi %broadcast_in_dim3A_5, %masked_cumsum3A : vector<16xi32>
    %sub3A = arith.subi %add3A_119, %select_n3A : vector<16xi32>
    %add3A_120 = arith.constant 0 : i32
    %add3A_121 = arith.addi %mul3A_0, %add3A_120 : i32
    %add3A_122 = vector.broadcast %add3A_121 : i32 to vector<16xi32>
    %add3A_123 = arith.addi %add3A_122, %iota3A : vector<16xi32>
    %min3A = arith.constant 47 : i32
    %min3A_124 = vector.broadcast %min3A : i32 to vector<16xi32>
    %min3A_125 = arith.minsi %sub3A, %min3A_124 : vector<16xi32>
    tpu.vector_store_idx %arg15[%min3A_125], %add3A_123 masked %eq3A_22 : memref<48xi32, #tpu.memory_space<vmem>>[vector<16xi32>], vector<16xi32>, vector<16xi1>
    %add3A_126 = arith.addi %add3A, %masked_cumsum3A_86 : vector<16xi32>
    %sub3A_127 = arith.subi %add3A_126, %select_n3A_51 : vector<16xi32>
    %add3A_128 = arith.constant 16 : i32
    %add3A_129 = arith.addi %mul3A_0, %add3A_128 : i32
    %add3A_130 = vector.broadcast %add3A_129 : i32 to vector<16xi32>
    %add3A_131 = arith.addi %add3A_130, %iota3A : vector<16xi32>
    %min3A_132 = arith.constant 47 : i32
    %min3A_133 = vector.broadcast %min3A_132 : i32 to vector<16xi32>
    %min3A_134 = arith.minsi %sub3A_127, %min3A_133 : vector<16xi32>
    tpu.vector_store_idx %arg15[%min3A_134], %add3A_131 masked %eq3A_25 : memref<48xi32, #tpu.memory_space<vmem>>[vector<16xi32>], vector<16xi32>, vector<16xi1>
    %add3A_135 = arith.addi %add3A_112, %masked_cumsum3A_89 : vector<16xi32>
    %sub3A_136 = arith.subi %add3A_135, %select_n3A_56 : vector<16xi32>
    %add3A_137 = arith.constant 32 : i32
    %add3A_138 = arith.addi %mul3A_0, %add3A_137 : i32
    %add3A_139 = vector.broadcast %add3A_138 : i32 to vector<16xi32>
    %add3A_140 = arith.addi %add3A_139, %iota3A : vector<16xi32>
    %min3A_141 = arith.constant 47 : i32
    %min3A_142 = vector.broadcast %min3A_141 : i32 to vector<16xi32>
    %min3A_143 = arith.minsi %sub3A_136, %min3A_142 : vector<16xi32>
    tpu.vector_store_idx %arg15[%min3A_143], %add3A_140 masked %eq3A_28 : memref<48xi32, #tpu.memory_space<vmem>>[vector<16xi32>], vector<16xi32>, vector<16xi1>
    %add3A_144 = arith.addi %add3A_113, %masked_cumsum3A_92 : vector<16xi32>
    %sub3A_145 = arith.subi %add3A_144, %select_n3A_61 : vector<16xi32>
    %add3A_146 = arith.constant 48 : i32
    %add3A_147 = arith.addi %mul3A_0, %add3A_146 : i32
    %add3A_148 = vector.broadcast %add3A_147 : i32 to vector<16xi32>
    %add3A_149 = arith.addi %add3A_148, %iota3A : vector<16xi32>
    %min3A_150 = arith.constant 47 : i32
    %min3A_151 = vector.broadcast %min3A_150 : i32 to vector<16xi32>
    %min3A_152 = arith.minsi %sub3A_145, %min3A_151 : vector<16xi32>
    tpu.vector_store_idx %arg15[%min3A_152], %add3A_149 masked %eq3A_31 : memref<48xi32, #tpu.memory_space<vmem>>[vector<16xi32>], vector<16xi32>, vector<16xi1>
    %add3A_153 = arith.addi %add3A_114, %masked_cumsum3A_95 : vector<16xi32>
    %sub3A_154 = arith.subi %add3A_153, %select_n3A_66 : vector<16xi32>
    %add3A_155 = arith.constant 64 : i32
    %add3A_156 = arith.addi %mul3A_0, %add3A_155 : i32
    %add3A_157 = vector.broadcast %add3A_156 : i32 to vector<16xi32>
    %add3A_158 = arith.addi %add3A_157, %iota3A : vector<16xi32>
    %min3A_159 = arith.constant 47 : i32
    %min3A_160 = vector.broadcast %min3A_159 : i32 to vector<16xi32>
    %min3A_161 = arith.minsi %sub3A_154, %min3A_160 : vector<16xi32>
    tpu.vector_store_idx %arg15[%min3A_161], %add3A_158 masked %eq3A_34 : memref<48xi32, #tpu.memory_space<vmem>>[vector<16xi32>], vector<16xi32>, vector<16xi1>
    %add3A_162 = arith.addi %add3A_115, %masked_cumsum3A_98 : vector<16xi32>
    %sub3A_163 = arith.subi %add3A_162, %select_n3A_71 : vector<16xi32>
    %add3A_164 = arith.constant 80 : i32
    %add3A_165 = arith.addi %mul3A_0, %add3A_164 : i32
    %add3A_166 = vector.broadcast %add3A_165 : i32 to vector<16xi32>
    %add3A_167 = arith.addi %add3A_166, %iota3A : vector<16xi32>
    %min3A_168 = arith.constant 47 : i32
    %min3A_169 = vector.broadcast %min3A_168 : i32 to vector<16xi32>
    %min3A_170 = arith.minsi %sub3A_163, %min3A_169 : vector<16xi32>
    tpu.vector_store_idx %arg15[%min3A_170], %add3A_167 masked %eq3A_37 : memref<48xi32, #tpu.memory_space<vmem>>[vector<16xi32>], vector<16xi32>, vector<16xi1>
    %add3A_171 = arith.addi %add3A_116, %masked_cumsum3A_101 : vector<16xi32>
    %sub3A_172 = arith.subi %add3A_171, %select_n3A_76 : vector<16xi32>
    %add3A_173 = arith.constant 96 : i32
    %add3A_174 = arith.addi %mul3A_0, %add3A_173 : i32
    %add3A_175 = vector.broadcast %add3A_174 : i32 to vector<16xi32>
    %add3A_176 = arith.addi %add3A_175, %iota3A : vector<16xi32>
    %min3A_177 = arith.constant 47 : i32
    %min3A_178 = vector.broadcast %min3A_177 : i32 to vector<16xi32>
    %min3A_179 = arith.minsi %sub3A_172, %min3A_178 : vector<16xi32>
    tpu.vector_store_idx %arg15[%min3A_179], %add3A_176 masked %eq3A_40 : memref<48xi32, #tpu.memory_space<vmem>>[vector<16xi32>], vector<16xi32>, vector<16xi1>
    %add3A_180 = arith.addi %add3A_117, %masked_cumsum3A_104 : vector<16xi32>
    %sub3A_181 = arith.subi %add3A_180, %select_n3A_81 : vector<16xi32>
    %add3A_182 = arith.constant 112 : i32
    %add3A_183 = arith.addi %mul3A_0, %add3A_182 : i32
    %add3A_184 = vector.broadcast %add3A_183 : i32 to vector<16xi32>
    %add3A_185 = arith.addi %add3A_184, %iota3A : vector<16xi32>
    %min3A_186 = arith.constant 47 : i32
    %min3A_187 = vector.broadcast %min3A_186 : i32 to vector<16xi32>
    %min3A_188 = arith.minsi %sub3A_181, %min3A_187 : vector<16xi32>
    tpu.vector_store_idx %arg15[%min3A_188], %add3A_185 masked %eq3A_43 : memref<48xi32, #tpu.memory_space<vmem>>[vector<16xi32>], vector<16xi32>, vector<16xi1>
    %get3A_189 = arith.constant 128 : index
    %get3A_190 = tpu.vector_load %arg13[%get3A_189] {strides = array<i32>} : memref<512xi32, #tpu.memory_space<vmem>>, vector<16xi32>,
    %get3A_191 = arith.constant 144 : index
    %get3A_192 = tpu.vector_load %arg13[%get3A_191] {strides = array<i32>} : memref<512xi32, #tpu.memory_space<vmem>>, vector<16xi32>,
    %get3A_193 = arith.constant 160 : index
    %get3A_194 = tpu.vector_load %arg13[%get3A_193] {strides = array<i32>} : memref<512xi32, #tpu.memory_space<vmem>>, vector<16xi32>,
    %get3A_195 = arith.constant 176 : index
    %get3A_196 = tpu.vector_load %arg13[%get3A_195] {strides = array<i32>} : memref<512xi32, #tpu.memory_space<vmem>>, vector<16xi32>,
    %get3A_197 = arith.constant 192 : index
    %get3A_198 = tpu.vector_load %arg13[%get3A_197] {strides = array<i32>} : memref<512xi32, #tpu.memory_space<vmem>>, vector<16xi32>,
    %get3A_199 = arith.constant 208 : index
    %get3A_200 = tpu.vector_load %arg13[%get3A_199] {strides = array<i32>} : memref<512xi32, #tpu.memory_space<vmem>>, vector<16xi32>,
    %get3A_201 = arith.constant 224 : index
    %get3A_202 = tpu.vector_load %arg13[%get3A_201] {strides = array<i32>} : memref<512xi32, #tpu.memory_space<vmem>>, vector<16xi32>,
    %get3A_203 = arith.constant 240 : index
    %get3A_204 = tpu.vector_load %arg13[%get3A_203] {strides = array<i32>} : memref<512xi32, #tpu.memory_space<vmem>>, vector<16xi32>,
    %eq3A_205 = arith.constant 0 : i32
    %eq3A_206 = vector.broadcast %eq3A_205 : i32 to vector<16xi32>
    %eq3A_207 = arith.cmpi eq, %get3A_190, %eq3A_206 : vector<16xi32>
    %eq3A_208 = arith.constant 0 : i32
    %eq3A_209 = vector.broadcast %eq3A_208 : i32 to vector<16xi32>
    %eq3A_210 = arith.cmpi eq, %get3A_192, %eq3A_209 : vector<16xi32>
    %eq3A_211 = arith.constant 0 : i32
    %eq3A_212 = vector.broadcast %eq3A_211 : i32 to vector<16xi32>
    %eq3A_213 = arith.cmpi eq, %get3A_194, %eq3A_212 : vector<16xi32>
    %eq3A_214 = arith.constant 0 : i32
    %eq3A_215 = vector.broadcast %eq3A_214 : i32 to vector<16xi32>
    %eq3A_216 = arith.cmpi eq, %get3A_196, %eq3A_215 : vector<16xi32>
    %eq3A_217 = arith.constant 0 : i32
    %eq3A_218 = vector.broadcast %eq3A_217 : i32 to vector<16xi32>
    %eq3A_219 = arith.cmpi eq, %get3A_198, %eq3A_218 : vector<16xi32>
    %eq3A_220 = arith.constant 0 : i32
    %eq3A_221 = vector.broadcast %eq3A_220 : i32 to vector<16xi32>
    %eq3A_222 = arith.cmpi eq, %get3A_200, %eq3A_221 : vector<16xi32>
    %eq3A_223 = arith.constant 0 : i32
    %eq3A_224 = vector.broadcast %eq3A_223 : i32 to vector<16xi32>
    %eq3A_225 = arith.cmpi eq, %get3A_202, %eq3A_224 : vector<16xi32>
    %eq3A_226 = arith.constant 0 : i32
    %eq3A_227 = vector.broadcast %eq3A_226 : i32 to vector<16xi32>
    %eq3A_228 = arith.cmpi eq, %get3A_204, %eq3A_227 : vector<16xi32>
    %jit3A_229 = arith.constant 1 : i32
    %jit3A_230 = arith.constant 0 : i32
    %broadcast_in_dim3A_231 = vector.broadcast %jit3A_229 : i32 to vector<16xi32>
    %broadcast_in_dim3A_232 = vector.broadcast %jit3A_230 : i32 to vector<16xi32>
    %select_n3A_233 = arith.select %eq3A_207, %broadcast_in_dim3A_231, %broadcast_in_dim3A_232 : vector<16xi1>, vector<16xi32>
    %jit3A_234 = arith.constant 1 : i32
    %jit3A_235 = arith.constant 0 : i32
    %broadcast_in_dim3A_236 = vector.broadcast %jit3A_234 : i32 to vector<16xi32>
    %broadcast_in_dim3A_237 = vector.broadcast %jit3A_235 : i32 to vector<16xi32>
    %select_n3A_238 = arith.select %eq3A_210, %broadcast_in_dim3A_236, %broadcast_in_dim3A_237 : vector<16xi1>, vector<16xi32>
    %jit3A_239 = arith.constant 1 : i32
    %jit3A_240 = arith.constant 0 : i32
    %broadcast_in_dim3A_241 = vector.broadcast %jit3A_239 : i32 to vector<16xi32>
    %broadcast_in_dim3A_242 = vector.broadcast %jit3A_240 : i32 to vector<16xi32>
    %select_n3A_243 = arith.select %eq3A_213, %broadcast_in_dim3A_241, %broadcast_in_dim3A_242 : vector<16xi1>, vector<16xi32>
    %jit3A_244 = arith.constant 1 : i32
    %jit3A_245 = arith.constant 0 : i32
    %broadcast_in_dim3A_246 = vector.broadcast %jit3A_244 : i32 to vector<16xi32>
    %broadcast_in_dim3A_247 = vector.broadcast %jit3A_245 : i32 to vector<16xi32>
    %select_n3A_248 = arith.select %eq3A_216, %broadcast_in_dim3A_246, %broadcast_in_dim3A_247 : vector<16xi1>, vector<16xi32>
    %jit3A_249 = arith.constant 1 : i32
    %jit3A_250 = arith.constant 0 : i32
    %broadcast_in_dim3A_251 = vector.broadcast %jit3A_249 : i32 to vector<16xi32>
    %broadcast_in_dim3A_252 = vector.broadcast %jit3A_250 : i32 to vector<16xi32>
    %select_n3A_253 = arith.select %eq3A_219, %broadcast_in_dim3A_251, %broadcast_in_dim3A_252 : vector<16xi1>, vector<16xi32>
    %jit3A_254 = arith.constant 1 : i32
    %jit3A_255 = arith.constant 0 : i32
    %broadcast_in_dim3A_256 = vector.broadcast %jit3A_254 : i32 to vector<16xi32>
    %broadcast_in_dim3A_257 = vector.broadcast %jit3A_255 : i32 to vector<16xi32>
    %select_n3A_258 = arith.select %eq3A_222, %broadcast_in_dim3A_256, %broadcast_in_dim3A_257 : vector<16xi1>, vector<16xi32>
    %jit3A_259 = arith.constant 1 : i32
    %jit3A_260 = arith.constant 0 : i32
    %broadcast_in_dim3A_261 = vector.broadcast %jit3A_259 : i32 to vector<16xi32>
    %broadcast_in_dim3A_262 = vector.broadcast %jit3A_260 : i32 to vector<16xi32>
    %select_n3A_263 = arith.select %eq3A_225, %broadcast_in_dim3A_261, %broadcast_in_dim3A_262 : vector<16xi1>, vector<16xi32>
    %jit3A_264 = arith.constant 1 : i32
    %jit3A_265 = arith.constant 0 : i32
    %broadcast_in_dim3A_266 = vector.broadcast %jit3A_264 : i32 to vector<16xi32>
    %broadcast_in_dim3A_267 = vector.broadcast %jit3A_265 : i32 to vector<16xi32>
    %select_n3A_268 = arith.select %eq3A_228, %broadcast_in_dim3A_266, %broadcast_in_dim3A_267 : vector<16xi1>, vector<16xi32>
    %broadcast_in_dim3A_269 = arith.constant true
    %broadcast_in_dim3A_270 = vector.broadcast %broadcast_in_dim3A_269 : i1 to vector<16xi1>
    %masked_cumsum3A_271 = tpu.scan <sum>, %select_n3A_233 masked %broadcast_in_dim3A_270 : vector<16xi32>, vector<16xi1> -> vector<16xi32>
    %broadcast_in_dim3A_272 = arith.constant true
    %broadcast_in_dim3A_273 = vector.broadcast %broadcast_in_dim3A_272 : i1 to vector<16xi1>
    %masked_cumsum3A_274 = tpu.scan <sum>, %select_n3A_238 masked %broadcast_in_dim3A_273 : vector<16xi32>, vector<16xi1> -> vector<16xi32>
    %broadcast_in_dim3A_275 = arith.constant true
    %broadcast_in_dim3A_276 = vector.broadcast %broadcast_in_dim3A_275 : i1 to vector<16xi1>
    %masked_cumsum3A_277 = tpu.scan <sum>, %select_n3A_243 masked %broadcast_in_dim3A_276 : vector<16xi32>, vector<16xi1> -> vector<16xi32>
    %broadcast_in_dim3A_278 = arith.constant true
    %broadcast_in_dim3A_279 = vector.broadcast %broadcast_in_dim3A_278 : i1 to vector<16xi1>
    %masked_cumsum3A_280 = tpu.scan <sum>, %select_n3A_248 masked %broadcast_in_dim3A_279 : vector<16xi32>, vector<16xi1> -> vector<16xi32>
    %broadcast_in_dim3A_281 = arith.constant true
    %broadcast_in_dim3A_282 = vector.broadcast %broadcast_in_dim3A_281 : i1 to vector<16xi1>
    %masked_cumsum3A_283 = tpu.scan <sum>, %select_n3A_253 masked %broadcast_in_dim3A_282 : vector<16xi32>, vector<16xi1> -> vector<16xi32>
    %broadcast_in_dim3A_284 = arith.constant true
    %broadcast_in_dim3A_285 = vector.broadcast %broadcast_in_dim3A_284 : i1 to vector<16xi1>
    %masked_cumsum3A_286 = tpu.scan <sum>, %select_n3A_258 masked %broadcast_in_dim3A_285 : vector<16xi32>, vector<16xi1> -> vector<16xi32>
    %broadcast_in_dim3A_287 = arith.constant true
    %broadcast_in_dim3A_288 = vector.broadcast %broadcast_in_dim3A_287 : i1 to vector<16xi1>
    %masked_cumsum3A_289 = tpu.scan <sum>, %select_n3A_263 masked %broadcast_in_dim3A_288 : vector<16xi32>, vector<16xi1> -> vector<16xi32>
    %broadcast_in_dim3A_290 = arith.constant true
    %broadcast_in_dim3A_291 = vector.broadcast %broadcast_in_dim3A_290 : i1 to vector<16xi1>
    %masked_cumsum3A_292 = tpu.scan <sum>, %select_n3A_268 masked %broadcast_in_dim3A_291 : vector<16xi32>, vector<16xi1> -> vector<16xi32>
    %all_reduce_population_count3A_293 = tpu.all_reduce %eq3A_207 {dim = 0 : i64, kind = #tpu.reduction_kind<sum>} : vector<16xi1> -> vector<16xi32>
    %all_reduce_population_count3A_294 = tpu.all_reduce %eq3A_210 {dim = 0 : i64, kind = #tpu.reduction_kind<sum>} : vector<16xi1> -> vector<16xi32>
    %all_reduce_population_count3A_295 = tpu.all_reduce %eq3A_213 {dim = 0 : i64, kind = #tpu.reduction_kind<sum>} : vector<16xi1> -> vector<16xi32>
    %all_reduce_population_count3A_296 = tpu.all_reduce %eq3A_216 {dim = 0 : i64, kind = #tpu.reduction_kind<sum>} : vector<16xi1> -> vector<16xi32>
    %all_reduce_population_count3A_297 = tpu.all_reduce %eq3A_219 {dim = 0 : i64, kind = #tpu.reduction_kind<sum>} : vector<16xi1> -> vector<16xi32>
    %all_reduce_population_count3A_298 = tpu.all_reduce %eq3A_222 {dim = 0 : i64, kind = #tpu.reduction_kind<sum>} : vector<16xi1> -> vector<16xi32>
    %all_reduce_population_count3A_299 = tpu.all_reduce %eq3A_225 {dim = 0 : i64, kind = #tpu.reduction_kind<sum>} : vector<16xi1> -> vector<16xi32>
    %all_reduce_population_count3A_300 = tpu.all_reduce %eq3A_228 {dim = 0 : i64, kind = #tpu.reduction_kind<sum>} : vector<16xi1> -> vector<16xi32>
    %add3A_301 = arith.addi %add3A_118, %all_reduce_population_count3A_293 : vector<16xi32>
    %add3A_302 = arith.addi %add3A_301, %all_reduce_population_count3A_294 : vector<16xi32>
    %add3A_303 = arith.addi %add3A_302, %all_reduce_population_count3A_295 : vector<16xi32>
    %add3A_304 = arith.addi %add3A_303, %all_reduce_population_count3A_296 : vector<16xi32>
    %add3A_305 = arith.addi %add3A_304, %all_reduce_population_count3A_297 : vector<16xi32>
    %add3A_306 = arith.addi %add3A_305, %all_reduce_population_count3A_298 : vector<16xi32>
    %add3A_307 = arith.addi %add3A_306, %all_reduce_population_count3A_299 : vector<16xi32>
    %add3A_308 = arith.addi %add3A_307, %all_reduce_population_count3A_300 : vector<16xi32>
    %add3A_309 = arith.addi %add3A_118, %masked_cumsum3A_271 : vector<16xi32>
    %sub3A_310 = arith.subi %add3A_309, %select_n3A_233 : vector<16xi32>
    %add3A_311 = arith.constant 128 : i32
    %add3A_312 = arith.addi %mul3A_0, %add3A_311 : i32
    %add3A_313 = vector.broadcast %add3A_312 : i32 to vector<16xi32>
    %add3A_314 = arith.addi %add3A_313, %iota3A : vector<16xi32>
    %min3A_315 = arith.constant 47 : i32
    %min3A_316 = vector.broadcast %min3A_315 : i32 to vector<16xi32>
    %min3A_317 = arith.minsi %sub3A_310, %min3A_316 : vector<16xi32>
    tpu.vector_store_idx %arg15[%min3A_317], %add3A_314 masked %eq3A_207 : memref<48xi32, #tpu.memory_space<vmem>>[vector<16xi32>], vector<16xi32>, vector<16xi1>
    %add3A_318 = arith.addi %add3A_301, %masked_cumsum3A_274 : vector<16xi32>
    %sub3A_319 = arith.subi %add3A_318, %select_n3A_238 : vector<16xi32>
    %add3A_320 = arith.constant 144 : i32
    %add3A_321 = arith.addi %mul3A_0, %add3A_320 : i32
    %add3A_322 = vector.broadcast %add3A_321 : i32 to vector<16xi32>
    %add3A_323 = arith.addi %add3A_322, %iota3A : vector<16xi32>
    %min3A_324 = arith.constant 47 : i32
    %min3A_325 = vector.broadcast %min3A_324 : i32 to vector<16xi32>
    %min3A_326 = arith.minsi %sub3A_319, %min3A_325 : vector<16xi32>
    tpu.vector_store_idx %arg15[%min3A_326], %add3A_323 masked %eq3A_210 : memref<48xi32, #tpu.memory_space<vmem>>[vector<16xi32>], vector<16xi32>, vector<16xi1>
    %add3A_327 = arith.addi %add3A_302, %masked_cumsum3A_277 : vector<16xi32>
    %sub3A_328 = arith.subi %add3A_327, %select_n3A_243 : vector<16xi32>
    %add3A_329 = arith.constant 160 : i32
    %add3A_330 = arith.addi %mul3A_0, %add3A_329 : i32
    %add3A_331 = vector.broadcast %add3A_330 : i32 to vector<16xi32>
    %add3A_332 = arith.addi %add3A_331, %iota3A : vector<16xi32>
    %min3A_333 = arith.constant 47 : i32
    %min3A_334 = vector.broadcast %min3A_333 : i32 to vector<16xi32>
    %min3A_335 = arith.minsi %sub3A_328, %min3A_334 : vector<16xi32>
    tpu.vector_store_idx %arg15[%min3A_335], %add3A_332 masked %eq3A_213 : memref<48xi32, #tpu.memory_space<vmem>>[vector<16xi32>], vector<16xi32>, vector<16xi1>
    %add3A_336 = arith.addi %add3A_303, %masked_cumsum3A_280 : vector<16xi32>
    %sub3A_337 = arith.subi %add3A_336, %select_n3A_248 : vector<16xi32>
    %add3A_338 = arith.constant 176 : i32
    %add3A_339 = arith.addi %mul3A_0, %add3A_338 : i32
    %add3A_340 = vector.broadcast %add3A_339 : i32 to vector<16xi32>
    %add3A_341 = arith.addi %add3A_340, %iota3A : vector<16xi32>
    %min3A_342 = arith.constant 47 : i32
    %min3A_343 = vector.broadcast %min3A_342 : i32 to vector<16xi32>
    %min3A_344 = arith.minsi %sub3A_337, %min3A_343 : vector<16xi32>
    tpu.vector_store_idx %arg15[%min3A_344], %add3A_341 masked %eq3A_216 : memref<48xi32, #tpu.memory_space<vmem>>[vector<16xi32>], vector<16xi32>, vector<16xi1>
    %add3A_345 = arith.addi %add3A_304, %masked_cumsum3A_283 : vector<16xi32>
    %sub3A_346 = arith.subi %add3A_345, %select_n3A_253 : vector<16xi32>
    %add3A_347 = arith.constant 192 : i32
    %add3A_348 = arith.addi %mul3A_0, %add3A_347 : i32
    %add3A_349 = vector.broadcast %add3A_348 : i32 to vector<16xi32>
    %add3A_350 = arith.addi %add3A_349, %iota3A : vector<16xi32>
    %min3A_351 = arith.constant 47 : i32
    %min3A_352 = vector.broadcast %min3A_351 : i32 to vector<16xi32>
    %min3A_353 = arith.minsi %sub3A_346, %min3A_352 : vector<16xi32>
    tpu.vector_store_idx %arg15[%min3A_353], %add3A_350 masked %eq3A_219 : memref<48xi32, #tpu.memory_space<vmem>>[vector<16xi32>], vector<16xi32>, vector<16xi1>
    %add3A_354 = arith.addi %add3A_305, %masked_cumsum3A_286 : vector<16xi32>
    %sub3A_355 = arith.subi %add3A_354, %select_n3A_258 : vector<16xi32>
    %add3A_356 = arith.constant 208 : i32
    %add3A_357 = arith.addi %mul3A_0, %add3A_356 : i32
    %add3A_358 = vector.broadcast %add3A_357 : i32 to vector<16xi32>
    %add3A_359 = arith.addi %add3A_358, %iota3A : vector<16xi32>
    %min3A_360 = arith.constant 47 : i32
    %min3A_361 = vector.broadcast %min3A_360 : i32 to vector<16xi32>
    %min3A_362 = arith.minsi %sub3A_355, %min3A_361 : vector<16xi32>
    tpu.vector_store_idx %arg15[%min3A_362], %add3A_359 masked %eq3A_222 : memref<48xi32, #tpu.memory_space<vmem>>[vector<16xi32>], vector<16xi32>, vector<16xi1>
    %add3A_363 = arith.addi %add3A_306, %masked_cumsum3A_289 : vector<16xi32>
    %sub3A_364 = arith.subi %add3A_363, %select_n3A_263 : vector<16xi32>
    %add3A_365 = arith.constant 224 : i32
    %add3A_366 = arith.addi %mul3A_0, %add3A_365 : i32
    %add3A_367 = vector.broadcast %add3A_366 : i32 to vector<16xi32>
    %add3A_368 = arith.addi %add3A_367, %iota3A : vector<16xi32>
    %min3A_369 = arith.constant 47 : i32
    %min3A_370 = vector.broadcast %min3A_369 : i32 to vector<16xi32>
    %min3A_371 = arith.minsi %sub3A_364, %min3A_370 : vector<16xi32>
    tpu.vector_store_idx %arg15[%min3A_371], %add3A_368 masked %eq3A_225 : memref<48xi32, #tpu.memory_space<vmem>>[vector<16xi32>], vector<16xi32>, vector<16xi1>
    %add3A_372 = arith.addi %add3A_307, %masked_cumsum3A_292 : vector<16xi32>
    %sub3A_373 = arith.subi %add3A_372, %select_n3A_268 : vector<16xi32>
    %add3A_374 = arith.constant 240 : i32
    %add3A_375 = arith.addi %mul3A_0, %add3A_374 : i32
    %add3A_376 = vector.broadcast %add3A_375 : i32 to vector<16xi32>
    %add3A_377 = arith.addi %add3A_376, %iota3A : vector<16xi32>
    %min3A_378 = arith.constant 47 : i32
    %min3A_379 = vector.broadcast %min3A_378 : i32 to vector<16xi32>
    %min3A_380 = arith.minsi %sub3A_373, %min3A_379 : vector<16xi32>
    tpu.vector_store_idx %arg15[%min3A_380], %add3A_377 masked %eq3A_228 : memref<48xi32, #tpu.memory_space<vmem>>[vector<16xi32>], vector<16xi32>, vector<16xi1>
    %get3A_381 = arith.constant 256 : index
    %get3A_382 = tpu.vector_load %arg13[%get3A_381] {strides = array<i32>} : memref<512xi32, #tpu.memory_space<vmem>>, vector<16xi32>,
    %get3A_383 = arith.constant 272 : index
    %get3A_384 = tpu.vector_load %arg13[%get3A_383] {strides = array<i32>} : memref<512xi32, #tpu.memory_space<vmem>>, vector<16xi32>,
    %get3A_385 = arith.constant 288 : index
    %get3A_386 = tpu.vector_load %arg13[%get3A_385] {strides = array<i32>} : memref<512xi32, #tpu.memory_space<vmem>>, vector<16xi32>,
    %get3A_387 = arith.constant 304 : index
    %get3A_388 = tpu.vector_load %arg13[%get3A_387] {strides = array<i32>} : memref<512xi32, #tpu.memory_space<vmem>>, vector<16xi32>,
    %get3A_389 = arith.constant 320 : index
    %get3A_390 = tpu.vector_load %arg13[%get3A_389] {strides = array<i32>} : memref<512xi32, #tpu.memory_space<vmem>>, vector<16xi32>,
    %get3A_391 = arith.constant 336 : index
    %get3A_392 = tpu.vector_load %arg13[%get3A_391] {strides = array<i32>} : memref<512xi32, #tpu.memory_space<vmem>>, vector<16xi32>,
    %get3A_393 = arith.constant 352 : index
    %get3A_394 = tpu.vector_load %arg13[%get3A_393] {strides = array<i32>} : memref<512xi32, #tpu.memory_space<vmem>>, vector<16xi32>,
    %get3A_395 = arith.constant 368 : index
    %get3A_396 = tpu.vector_load %arg13[%get3A_395] {strides = array<i32>} : memref<512xi32, #tpu.memory_space<vmem>>, vector<16xi32>,
    %eq3A_397 = arith.constant 0 : i32
    %eq3A_398 = vector.broadcast %eq3A_397 : i32 to vector<16xi32>
    %eq3A_399 = arith.cmpi eq, %get3A_382, %eq3A_398 : vector<16xi32>
    %eq3A_400 = arith.constant 0 : i32
    %eq3A_401 = vector.broadcast %eq3A_400 : i32 to vector<16xi32>
    %eq3A_402 = arith.cmpi eq, %get3A_384, %eq3A_401 : vector<16xi32>
    %eq3A_403 = arith.constant 0 : i32
    %eq3A_404 = vector.broadcast %eq3A_403 : i32 to vector<16xi32>
    %eq3A_405 = arith.cmpi eq, %get3A_386, %eq3A_404 : vector<16xi32>
    %eq3A_406 = arith.constant 0 : i32
    %eq3A_407 = vector.broadcast %eq3A_406 : i32 to vector<16xi32>
    %eq3A_408 = arith.cmpi eq, %get3A_388, %eq3A_407 : vector<16xi32>
    %eq3A_409 = arith.constant 0 : i32
    %eq3A_410 = vector.broadcast %eq3A_409 : i32 to vector<16xi32>
    %eq3A_411 = arith.cmpi eq, %get3A_390, %eq3A_410 : vector<16xi32>
    %eq3A_412 = arith.constant 0 : i32
    %eq3A_413 = vector.broadcast %eq3A_412 : i32 to vector<16xi32>
    %eq3A_414 = arith.cmpi eq, %get3A_392, %eq3A_413 : vector<16xi32>
    %eq3A_415 = arith.constant 0 : i32
    %eq3A_416 = vector.broadcast %eq3A_415 : i32 to vector<16xi32>
    %eq3A_417 = arith.cmpi eq, %get3A_394, %eq3A_416 : vector<16xi32>
    %eq3A_418 = arith.constant 0 : i32
    %eq3A_419 = vector.broadcast %eq3A_418 : i32 to vector<16xi32>
    %eq3A_420 = arith.cmpi eq, %get3A_396, %eq3A_419 : vector<16xi32>
    %jit3A_421 = arith.constant 1 : i32
    %jit3A_422 = arith.constant 0 : i32
    %broadcast_in_dim3A_423 = vector.broadcast %jit3A_421 : i32 to vector<16xi32>
    %broadcast_in_dim3A_424 = vector.broadcast %jit3A_422 : i32 to vector<16xi32>
    %select_n3A_425 = arith.select %eq3A_399, %broadcast_in_dim3A_423, %broadcast_in_dim3A_424 : vector<16xi1>, vector<16xi32>
    %jit3A_426 = arith.constant 1 : i32
    %jit3A_427 = arith.constant 0 : i32
    %broadcast_in_dim3A_428 = vector.broadcast %jit3A_426 : i32 to vector<16xi32>
    %broadcast_in_dim3A_429 = vector.broadcast %jit3A_427 : i32 to vector<16xi32>
    %select_n3A_430 = arith.select %eq3A_402, %broadcast_in_dim3A_428, %broadcast_in_dim3A_429 : vector<16xi1>, vector<16xi32>
    %jit3A_431 = arith.constant 1 : i32
    %jit3A_432 = arith.constant 0 : i32
    %broadcast_in_dim3A_433 = vector.broadcast %jit3A_431 : i32 to vector<16xi32>
    %broadcast_in_dim3A_434 = vector.broadcast %jit3A_432 : i32 to vector<16xi32>
    %select_n3A_435 = arith.select %eq3A_405, %broadcast_in_dim3A_433, %broadcast_in_dim3A_434 : vector<16xi1>, vector<16xi32>
    %jit3A_436 = arith.constant 1 : i32
    %jit3A_437 = arith.constant 0 : i32
    %broadcast_in_dim3A_438 = vector.broadcast %jit3A_436 : i32 to vector<16xi32>
    %broadcast_in_dim3A_439 = vector.broadcast %jit3A_437 : i32 to vector<16xi32>
    %select_n3A_440 = arith.select %eq3A_408, %broadcast_in_dim3A_438, %broadcast_in_dim3A_439 : vector<16xi1>, vector<16xi32>
    %jit3A_441 = arith.constant 1 : i32
    %jit3A_442 = arith.constant 0 : i32
    %broadcast_in_dim3A_443 = vector.broadcast %jit3A_441 : i32 to vector<16xi32>
    %broadcast_in_dim3A_444 = vector.broadcast %jit3A_442 : i32 to vector<16xi32>
    %select_n3A_445 = arith.select %eq3A_411, %broadcast_in_dim3A_443, %broadcast_in_dim3A_444 : vector<16xi1>, vector<16xi32>
    %jit3A_446 = arith.constant 1 : i32
    %jit3A_447 = arith.constant 0 : i32
    %broadcast_in_dim3A_448 = vector.broadcast %jit3A_446 : i32 to vector<16xi32>
    %broadcast_in_dim3A_449 = vector.broadcast %jit3A_447 : i32 to vector<16xi32>
    %select_n3A_450 = arith.select %eq3A_414, %broadcast_in_dim3A_448, %broadcast_in_dim3A_449 : vector<16xi1>, vector<16xi32>
    %jit3A_451 = arith.constant 1 : i32
    %jit3A_452 = arith.constant 0 : i32
    %broadcast_in_dim3A_453 = vector.broadcast %jit3A_451 : i32 to vector<16xi32>
    %broadcast_in_dim3A_454 = vector.broadcast %jit3A_452 : i32 to vector<16xi32>
    %select_n3A_455 = arith.select %eq3A_417, %broadcast_in_dim3A_453, %broadcast_in_dim3A_454 : vector<16xi1>, vector<16xi32>
    %jit3A_456 = arith.constant 1 : i32
    %jit3A_457 = arith.constant 0 : i32
    %broadcast_in_dim3A_458 = vector.broadcast %jit3A_456 : i32 to vector<16xi32>
    %broadcast_in_dim3A_459 = vector.broadcast %jit3A_457 : i32 to vector<16xi32>
    %select_n3A_460 = arith.select %eq3A_420, %broadcast_in_dim3A_458, %broadcast_in_dim3A_459 : vector<16xi1>, vector<16xi32>
    %broadcast_in_dim3A_461 = arith.constant true
    %broadcast_in_dim3A_462 = vector.broadcast %broadcast_in_dim3A_461 : i1 to vector<16xi1>
    %masked_cumsum3A_463 = tpu.scan <sum>, %select_n3A_425 masked %broadcast_in_dim3A_462 : vector<16xi32>, vector<16xi1> -> vector<16xi32>
    %broadcast_in_dim3A_464 = arith.constant true
    %broadcast_in_dim3A_465 = vector.broadcast %broadcast_in_dim3A_464 : i1 to vector<16xi1>
    %masked_cumsum3A_466 = tpu.scan <sum>, %select_n3A_430 masked %broadcast_in_dim3A_465 : vector<16xi32>, vector<16xi1> -> vector<16xi32>
    %broadcast_in_dim3A_467 = arith.constant true
    %broadcast_in_dim3A_468 = vector.broadcast %broadcast_in_dim3A_467 : i1 to vector<16xi1>
    %masked_cumsum3A_469 = tpu.scan <sum>, %select_n3A_435 masked %broadcast_in_dim3A_468 : vector<16xi32>, vector<16xi1> -> vector<16xi32>
    %broadcast_in_dim3A_470 = arith.constant true
    %broadcast_in_dim3A_471 = vector.broadcast %broadcast_in_dim3A_470 : i1 to vector<16xi1>
    %masked_cumsum3A_472 = tpu.scan <sum>, %select_n3A_440 masked %broadcast_in_dim3A_471 : vector<16xi32>, vector<16xi1> -> vector<16xi32>
    %broadcast_in_dim3A_473 = arith.constant true
    %broadcast_in_dim3A_474 = vector.broadcast %broadcast_in_dim3A_473 : i1 to vector<16xi1>
    %masked_cumsum3A_475 = tpu.scan <sum>, %select_n3A_445 masked %broadcast_in_dim3A_474 : vector<16xi32>, vector<16xi1> -> vector<16xi32>
    %broadcast_in_dim3A_476 = arith.constant true
    %broadcast_in_dim3A_477 = vector.broadcast %broadcast_in_dim3A_476 : i1 to vector<16xi1>
    %masked_cumsum3A_478 = tpu.scan <sum>, %select_n3A_450 masked %broadcast_in_dim3A_477 : vector<16xi32>, vector<16xi1> -> vector<16xi32>
    %broadcast_in_dim3A_479 = arith.constant true
    %broadcast_in_dim3A_480 = vector.broadcast %broadcast_in_dim3A_479 : i1 to vector<16xi1>
    %masked_cumsum3A_481 = tpu.scan <sum>, %select_n3A_455 masked %broadcast_in_dim3A_480 : vector<16xi32>, vector<16xi1> -> vector<16xi32>
    %broadcast_in_dim3A_482 = arith.constant true
    %broadcast_in_dim3A_483 = vector.broadcast %broadcast_in_dim3A_482 : i1 to vector<16xi1>
    %masked_cumsum3A_484 = tpu.scan <sum>, %select_n3A_460 masked %broadcast_in_dim3A_483 : vector<16xi32>, vector<16xi1> -> vector<16xi32>
    %all_reduce_population_count3A_485 = tpu.all_reduce %eq3A_399 {dim = 0 : i64, kind = #tpu.reduction_kind<sum>} : vector<16xi1> -> vector<16xi32>
    %all_reduce_population_count3A_486 = tpu.all_reduce %eq3A_402 {dim = 0 : i64, kind = #tpu.reduction_kind<sum>} : vector<16xi1> -> vector<16xi32>
    %all_reduce_population_count3A_487 = tpu.all_reduce %eq3A_405 {dim = 0 : i64, kind = #tpu.reduction_kind<sum>} : vector<16xi1> -> vector<16xi32>
    %all_reduce_population_count3A_488 = tpu.all_reduce %eq3A_408 {dim = 0 : i64, kind = #tpu.reduction_kind<sum>} : vector<16xi1> -> vector<16xi32>
    %all_reduce_population_count3A_489 = tpu.all_reduce %eq3A_411 {dim = 0 : i64, kind = #tpu.reduction_kind<sum>} : vector<16xi1> -> vector<16xi32>
    %all_reduce_population_count3A_490 = tpu.all_reduce %eq3A_414 {dim = 0 : i64, kind = #tpu.reduction_kind<sum>} : vector<16xi1> -> vector<16xi32>
    %all_reduce_population_count3A_491 = tpu.all_reduce %eq3A_417 {dim = 0 : i64, kind = #tpu.reduction_kind<sum>} : vector<16xi1> -> vector<16xi32>
    %all_reduce_population_count3A_492 = tpu.all_reduce %eq3A_420 {dim = 0 : i64, kind = #tpu.reduction_kind<sum>} : vector<16xi1> -> vector<16xi32>
    %add3A_493 = arith.addi %add3A_308, %all_reduce_population_count3A_485 : vector<16xi32>
    %add3A_494 = arith.addi %add3A_493, %all_reduce_population_count3A_486 : vector<16xi32>
    %add3A_495 = arith.addi %add3A_494, %all_reduce_population_count3A_487 : vector<16xi32>
    %add3A_496 = arith.addi %add3A_495, %all_reduce_population_count3A_488 : vector<16xi32>
    %add3A_497 = arith.addi %add3A_496, %all_reduce_population_count3A_489 : vector<16xi32>
    %add3A_498 = arith.addi %add3A_497, %all_reduce_population_count3A_490 : vector<16xi32>
    %add3A_499 = arith.addi %add3A_498, %all_reduce_population_count3A_491 : vector<16xi32>
    %add3A_500 = arith.addi %add3A_499, %all_reduce_population_count3A_492 : vector<16xi32>
    %add3A_501 = arith.addi %add3A_308, %masked_cumsum3A_463 : vector<16xi32>
    %sub3A_502 = arith.subi %add3A_501, %select_n3A_425 : vector<16xi32>
    %add3A_503 = arith.constant 256 : i32
    %add3A_504 = arith.addi %mul3A_0, %add3A_503 : i32
    %add3A_505 = vector.broadcast %add3A_504 : i32 to vector<16xi32>
    %add3A_506 = arith.addi %add3A_505, %iota3A : vector<16xi32>
    %min3A_507 = arith.constant 47 : i32
    %min3A_508 = vector.broadcast %min3A_507 : i32 to vector<16xi32>
    %min3A_509 = arith.minsi %sub3A_502, %min3A_508 : vector<16xi32>
    tpu.vector_store_idx %arg15[%min3A_509], %add3A_506 masked %eq3A_399 : memref<48xi32, #tpu.memory_space<vmem>>[vector<16xi32>], vector<16xi32>, vector<16xi1>
    %add3A_510 = arith.addi %add3A_493, %masked_cumsum3A_466 : vector<16xi32>
    %sub3A_511 = arith.subi %add3A_510, %select_n3A_430 : vector<16xi32>
    %add3A_512 = arith.constant 272 : i32
    %add3A_513 = arith.addi %mul3A_0, %add3A_512 : i32
    %add3A_514 = vector.broadcast %add3A_513 : i32 to vector<16xi32>
    %add3A_515 = arith.addi %add3A_514, %iota3A : vector<16xi32>
    %min3A_516 = arith.constant 47 : i32
    %min3A_517 = vector.broadcast %min3A_516 : i32 to vector<16xi32>
    %min3A_518 = arith.minsi %sub3A_511, %min3A_517 : vector<16xi32>
    tpu.vector_store_idx %arg15[%min3A_518], %add3A_515 masked %eq3A_402 : memref<48xi32, #tpu.memory_space<vmem>>[vector<16xi32>], vector<16xi32>, vector<16xi1>
    %add3A_519 = arith.addi %add3A_494, %masked_cumsum3A_469 : vector<16xi32>
    %sub3A_520 = arith.subi %add3A_519, %select_n3A_435 : vector<16xi32>
    %add3A_521 = arith.constant 288 : i32
    %add3A_522 = arith.addi %mul3A_0, %add3A_521 : i32
    %add3A_523 = vector.broadcast %add3A_522 : i32 to vector<16xi32>
    %add3A_524 = arith.addi %add3A_523, %iota3A : vector<16xi32>
    %min3A_525 = arith.constant 47 : i32
    %min3A_526 = vector.broadcast %min3A_525 : i32 to vector<16xi32>
    %min3A_527 = arith.minsi %sub3A_520, %min3A_526 : vector<16xi32>
    tpu.vector_store_idx %arg15[%min3A_527], %add3A_524 masked %eq3A_405 : memref<48xi32, #tpu.memory_space<vmem>>[vector<16xi32>], vector<16xi32>, vector<16xi1>
    %add3A_528 = arith.addi %add3A_495, %masked_cumsum3A_472 : vector<16xi32>
    %sub3A_529 = arith.subi %add3A_528, %select_n3A_440 : vector<16xi32>
    %add3A_530 = arith.constant 304 : i32
    %add3A_531 = arith.addi %mul3A_0, %add3A_530 : i32
    %add3A_532 = vector.broadcast %add3A_531 : i32 to vector<16xi32>
    %add3A_533 = arith.addi %add3A_532, %iota3A : vector<16xi32>
    %min3A_534 = arith.constant 47 : i32
    %min3A_535 = vector.broadcast %min3A_534 : i32 to vector<16xi32>
    %min3A_536 = arith.minsi %sub3A_529, %min3A_535 : vector<16xi32>
    tpu.vector_store_idx %arg15[%min3A_536], %add3A_533 masked %eq3A_408 : memref<48xi32, #tpu.memory_space<vmem>>[vector<16xi32>], vector<16xi32>, vector<16xi1>
    %add3A_537 = arith.addi %add3A_496, %masked_cumsum3A_475 : vector<16xi32>
    %sub3A_538 = arith.subi %add3A_537, %select_n3A_445 : vector<16xi32>
    %add3A_539 = arith.constant 320 : i32
    %add3A_540 = arith.addi %mul3A_0, %add3A_539 : i32
    %add3A_541 = vector.broadcast %add3A_540 : i32 to vector<16xi32>
    %add3A_542 = arith.addi %add3A_541, %iota3A : vector<16xi32>
    %min3A_543 = arith.constant 47 : i32
    %min3A_544 = vector.broadcast %min3A_543 : i32 to vector<16xi32>
    %min3A_545 = arith.minsi %sub3A_538, %min3A_544 : vector<16xi32>
    tpu.vector_store_idx %arg15[%min3A_545], %add3A_542 masked %eq3A_411 : memref<48xi32, #tpu.memory_space<vmem>>[vector<16xi32>], vector<16xi32>, vector<16xi1>
    %add3A_546 = arith.addi %add3A_497, %masked_cumsum3A_478 : vector<16xi32>
    %sub3A_547 = arith.subi %add3A_546, %select_n3A_450 : vector<16xi32>
    %add3A_548 = arith.constant 336 : i32
    %add3A_549 = arith.addi %mul3A_0, %add3A_548 : i32
    %add3A_550 = vector.broadcast %add3A_549 : i32 to vector<16xi32>
    %add3A_551 = arith.addi %add3A_550, %iota3A : vector<16xi32>
    %min3A_552 = arith.constant 47 : i32
    %min3A_553 = vector.broadcast %min3A_552 : i32 to vector<16xi32>
    %min3A_554 = arith.minsi %sub3A_547, %min3A_553 : vector<16xi32>
    tpu.vector_store_idx %arg15[%min3A_554], %add3A_551 masked %eq3A_414 : memref<48xi32, #tpu.memory_space<vmem>>[vector<16xi32>], vector<16xi32>, vector<16xi1>
    %add3A_555 = arith.addi %add3A_498, %masked_cumsum3A_481 : vector<16xi32>
    %sub3A_556 = arith.subi %add3A_555, %select_n3A_455 : vector<16xi32>
    %add3A_557 = arith.constant 352 : i32
    %add3A_558 = arith.addi %mul3A_0, %add3A_557 : i32
    %add3A_559 = vector.broadcast %add3A_558 : i32 to vector<16xi32>
    %add3A_560 = arith.addi %add3A_559, %iota3A : vector<16xi32>
    %min3A_561 = arith.constant 47 : i32
    %min3A_562 = vector.broadcast %min3A_561 : i32 to vector<16xi32>
    %min3A_563 = arith.minsi %sub3A_556, %min3A_562 : vector<16xi32>
    tpu.vector_store_idx %arg15[%min3A_563], %add3A_560 masked %eq3A_417 : memref<48xi32, #tpu.memory_space<vmem>>[vector<16xi32>], vector<16xi32>, vector<16xi1>
    %add3A_564 = arith.addi %add3A_499, %masked_cumsum3A_484 : vector<16xi32>
    %sub3A_565 = arith.subi %add3A_564, %select_n3A_460 : vector<16xi32>
    %add3A_566 = arith.constant 368 : i32
    %add3A_567 = arith.addi %mul3A_0, %add3A_566 : i32
    %add3A_568 = vector.broadcast %add3A_567 : i32 to vector<16xi32>
    %add3A_569 = arith.addi %add3A_568, %iota3A : vector<16xi32>
    %min3A_570 = arith.constant 47 : i32
    %min3A_571 = vector.broadcast %min3A_570 : i32 to vector<16xi32>
    %min3A_572 = arith.minsi %sub3A_565, %min3A_571 : vector<16xi32>
    tpu.vector_store_idx %arg15[%min3A_572], %add3A_569 masked %eq3A_420 : memref<48xi32, #tpu.memory_space<vmem>>[vector<16xi32>], vector<16xi32>, vector<16xi1>
    %get3A_573 = arith.constant 384 : index
    %get3A_574 = tpu.vector_load %arg13[%get3A_573] {strides = array<i32>} : memref<512xi32, #tpu.memory_space<vmem>>, vector<16xi32>,
    %get3A_575 = arith.constant 400 : index
    %get3A_576 = tpu.vector_load %arg13[%get3A_575] {strides = array<i32>} : memref<512xi32, #tpu.memory_space<vmem>>, vector<16xi32>,
    %get3A_577 = arith.constant 416 : index
    %get3A_578 = tpu.vector_load %arg13[%get3A_577] {strides = array<i32>} : memref<512xi32, #tpu.memory_space<vmem>>, vector<16xi32>,
    %get3A_579 = arith.constant 432 : index
    %get3A_580 = tpu.vector_load %arg13[%get3A_579] {strides = array<i32>} : memref<512xi32, #tpu.memory_space<vmem>>, vector<16xi32>,
    %get3A_581 = arith.constant 448 : index
    %get3A_582 = tpu.vector_load %arg13[%get3A_581] {strides = array<i32>} : memref<512xi32, #tpu.memory_space<vmem>>, vector<16xi32>,
    %get3A_583 = arith.constant 464 : index
    %get3A_584 = tpu.vector_load %arg13[%get3A_583] {strides = array<i32>} : memref<512xi32, #tpu.memory_space<vmem>>, vector<16xi32>,
    %get3A_585 = arith.constant 480 : index
    %get3A_586 = tpu.vector_load %arg13[%get3A_585] {strides = array<i32>} : memref<512xi32, #tpu.memory_space<vmem>>, vector<16xi32>,
    %get3A_587 = arith.constant 496 : index
    %get3A_588 = tpu.vector_load %arg13[%get3A_587] {strides = array<i32>} : memref<512xi32, #tpu.memory_space<vmem>>, vector<16xi32>,
    %eq3A_589 = arith.constant 0 : i32
    %eq3A_590 = vector.broadcast %eq3A_589 : i32 to vector<16xi32>
    %eq3A_591 = arith.cmpi eq, %get3A_574, %eq3A_590 : vector<16xi32>
    %eq3A_592 = arith.constant 0 : i32
    %eq3A_593 = vector.broadcast %eq3A_592 : i32 to vector<16xi32>
    %eq3A_594 = arith.cmpi eq, %get3A_576, %eq3A_593 : vector<16xi32>
    %eq3A_595 = arith.constant 0 : i32
    %eq3A_596 = vector.broadcast %eq3A_595 : i32 to vector<16xi32>
    %eq3A_597 = arith.cmpi eq, %get3A_578, %eq3A_596 : vector<16xi32>
    %eq3A_598 = arith.constant 0 : i32
    %eq3A_599 = vector.broadcast %eq3A_598 : i32 to vector<16xi32>
    %eq3A_600 = arith.cmpi eq, %get3A_580, %eq3A_599 : vector<16xi32>
    %eq3A_601 = arith.constant 0 : i32
    %eq3A_602 = vector.broadcast %eq3A_601 : i32 to vector<16xi32>
    %eq3A_603 = arith.cmpi eq, %get3A_582, %eq3A_602 : vector<16xi32>
    %eq3A_604 = arith.constant 0 : i32
    %eq3A_605 = vector.broadcast %eq3A_604 : i32 to vector<16xi32>
    %eq3A_606 = arith.cmpi eq, %get3A_584, %eq3A_605 : vector<16xi32>
    %eq3A_607 = arith.constant 0 : i32
    %eq3A_608 = vector.broadcast %eq3A_607 : i32 to vector<16xi32>
    %eq3A_609 = arith.cmpi eq, %get3A_586, %eq3A_608 : vector<16xi32>
    %eq3A_610 = arith.constant 0 : i32
    %eq3A_611 = vector.broadcast %eq3A_610 : i32 to vector<16xi32>
    %eq3A_612 = arith.cmpi eq, %get3A_588, %eq3A_611 : vector<16xi32>
    %jit3A_613 = arith.constant 1 : i32
    %jit3A_614 = arith.constant 0 : i32
    %broadcast_in_dim3A_615 = vector.broadcast %jit3A_613 : i32 to vector<16xi32>
    %broadcast_in_dim3A_616 = vector.broadcast %jit3A_614 : i32 to vector<16xi32>
    %select_n3A_617 = arith.select %eq3A_591, %broadcast_in_dim3A_615, %broadcast_in_dim3A_616 : vector<16xi1>, vector<16xi32>
    %jit3A_618 = arith.constant 1 : i32
    %jit3A_619 = arith.constant 0 : i32
    %broadcast_in_dim3A_620 = vector.broadcast %jit3A_618 : i32 to vector<16xi32>
    %broadcast_in_dim3A_621 = vector.broadcast %jit3A_619 : i32 to vector<16xi32>
    %select_n3A_622 = arith.select %eq3A_594, %broadcast_in_dim3A_620, %broadcast_in_dim3A_621 : vector<16xi1>, vector<16xi32>
    %jit3A_623 = arith.constant 1 : i32
    %jit3A_624 = arith.constant 0 : i32
    %broadcast_in_dim3A_625 = vector.broadcast %jit3A_623 : i32 to vector<16xi32>
    %broadcast_in_dim3A_626 = vector.broadcast %jit3A_624 : i32 to vector<16xi32>
    %select_n3A_627 = arith.select %eq3A_597, %broadcast_in_dim3A_625, %broadcast_in_dim3A_626 : vector<16xi1>, vector<16xi32>
    %jit3A_628 = arith.constant 1 : i32
    %jit3A_629 = arith.constant 0 : i32
    %broadcast_in_dim3A_630 = vector.broadcast %jit3A_628 : i32 to vector<16xi32>
    %broadcast_in_dim3A_631 = vector.broadcast %jit3A_629 : i32 to vector<16xi32>
    %select_n3A_632 = arith.select %eq3A_600, %broadcast_in_dim3A_630, %broadcast_in_dim3A_631 : vector<16xi1>, vector<16xi32>
    %jit3A_633 = arith.constant 1 : i32
    %jit3A_634 = arith.constant 0 : i32
    %broadcast_in_dim3A_635 = vector.broadcast %jit3A_633 : i32 to vector<16xi32>
    %broadcast_in_dim3A_636 = vector.broadcast %jit3A_634 : i32 to vector<16xi32>
    %select_n3A_637 = arith.select %eq3A_603, %broadcast_in_dim3A_635, %broadcast_in_dim3A_636 : vector<16xi1>, vector<16xi32>
    %jit3A_638 = arith.constant 1 : i32
    %jit3A_639 = arith.constant 0 : i32
    %broadcast_in_dim3A_640 = vector.broadcast %jit3A_638 : i32 to vector<16xi32>
    %broadcast_in_dim3A_641 = vector.broadcast %jit3A_639 : i32 to vector<16xi32>
    %select_n3A_642 = arith.select %eq3A_606, %broadcast_in_dim3A_640, %broadcast_in_dim3A_641 : vector<16xi1>, vector<16xi32>
    %jit3A_643 = arith.constant 1 : i32
    %jit3A_644 = arith.constant 0 : i32
    %broadcast_in_dim3A_645 = vector.broadcast %jit3A_643 : i32 to vector<16xi32>
    %broadcast_in_dim3A_646 = vector.broadcast %jit3A_644 : i32 to vector<16xi32>
    %select_n3A_647 = arith.select %eq3A_609, %broadcast_in_dim3A_645, %broadcast_in_dim3A_646 : vector<16xi1>, vector<16xi32>
    %jit3A_648 = arith.constant 1 : i32
    %jit3A_649 = arith.constant 0 : i32
    %broadcast_in_dim3A_650 = vector.broadcast %jit3A_648 : i32 to vector<16xi32>
    %broadcast_in_dim3A_651 = vector.broadcast %jit3A_649 : i32 to vector<16xi32>
    %select_n3A_652 = arith.select %eq3A_612, %broadcast_in_dim3A_650, %broadcast_in_dim3A_651 : vector<16xi1>, vector<16xi32>
    %broadcast_in_dim3A_653 = arith.constant true
    %broadcast_in_dim3A_654 = vector.broadcast %broadcast_in_dim3A_653 : i1 to vector<16xi1>
    %masked_cumsum3A_655 = tpu.scan <sum>, %select_n3A_617 masked %broadcast_in_dim3A_654 : vector<16xi32>, vector<16xi1> -> vector<16xi32>
    %broadcast_in_dim3A_656 = arith.constant true
    %broadcast_in_dim3A_657 = vector.broadcast %broadcast_in_dim3A_656 : i1 to vector<16xi1>
    %masked_cumsum3A_658 = tpu.scan <sum>, %select_n3A_622 masked %broadcast_in_dim3A_657 : vector<16xi32>, vector<16xi1> -> vector<16xi32>
    %broadcast_in_dim3A_659 = arith.constant true
    %broadcast_in_dim3A_660 = vector.broadcast %broadcast_in_dim3A_659 : i1 to vector<16xi1>
    %masked_cumsum3A_661 = tpu.scan <sum>, %select_n3A_627 masked %broadcast_in_dim3A_660 : vector<16xi32>, vector<16xi1> -> vector<16xi32>
    %broadcast_in_dim3A_662 = arith.constant true
    %broadcast_in_dim3A_663 = vector.broadcast %broadcast_in_dim3A_662 : i1 to vector<16xi1>
    %masked_cumsum3A_664 = tpu.scan <sum>, %select_n3A_632 masked %broadcast_in_dim3A_663 : vector<16xi32>, vector<16xi1> -> vector<16xi32>
    %broadcast_in_dim3A_665 = arith.constant true
    %broadcast_in_dim3A_666 = vector.broadcast %broadcast_in_dim3A_665 : i1 to vector<16xi1>
    %masked_cumsum3A_667 = tpu.scan <sum>, %select_n3A_637 masked %broadcast_in_dim3A_666 : vector<16xi32>, vector<16xi1> -> vector<16xi32>
    %broadcast_in_dim3A_668 = arith.constant true
    %broadcast_in_dim3A_669 = vector.broadcast %broadcast_in_dim3A_668 : i1 to vector<16xi1>
    %masked_cumsum3A_670 = tpu.scan <sum>, %select_n3A_642 masked %broadcast_in_dim3A_669 : vector<16xi32>, vector<16xi1> -> vector<16xi32>
    %broadcast_in_dim3A_671 = arith.constant true
    %broadcast_in_dim3A_672 = vector.broadcast %broadcast_in_dim3A_671 : i1 to vector<16xi1>
    %masked_cumsum3A_673 = tpu.scan <sum>, %select_n3A_647 masked %broadcast_in_dim3A_672 : vector<16xi32>, vector<16xi1> -> vector<16xi32>
    %broadcast_in_dim3A_674 = arith.constant true
    %broadcast_in_dim3A_675 = vector.broadcast %broadcast_in_dim3A_674 : i1 to vector<16xi1>
    %masked_cumsum3A_676 = tpu.scan <sum>, %select_n3A_652 masked %broadcast_in_dim3A_675 : vector<16xi32>, vector<16xi1> -> vector<16xi32>
    %all_reduce_population_count3A_677 = tpu.all_reduce %eq3A_591 {dim = 0 : i64, kind = #tpu.reduction_kind<sum>} : vector<16xi1> -> vector<16xi32>
    %all_reduce_population_count3A_678 = tpu.all_reduce %eq3A_594 {dim = 0 : i64, kind = #tpu.reduction_kind<sum>} : vector<16xi1> -> vector<16xi32>
    %all_reduce_population_count3A_679 = tpu.all_reduce %eq3A_597 {dim = 0 : i64, kind = #tpu.reduction_kind<sum>} : vector<16xi1> -> vector<16xi32>
    %all_reduce_population_count3A_680 = tpu.all_reduce %eq3A_600 {dim = 0 : i64, kind = #tpu.reduction_kind<sum>} : vector<16xi1> -> vector<16xi32>
    %all_reduce_population_count3A_681 = tpu.all_reduce %eq3A_603 {dim = 0 : i64, kind = #tpu.reduction_kind<sum>} : vector<16xi1> -> vector<16xi32>
    %all_reduce_population_count3A_682 = tpu.all_reduce %eq3A_606 {dim = 0 : i64, kind = #tpu.reduction_kind<sum>} : vector<16xi1> -> vector<16xi32>
    %all_reduce_population_count3A_683 = tpu.all_reduce %eq3A_609 {dim = 0 : i64, kind = #tpu.reduction_kind<sum>} : vector<16xi1> -> vector<16xi32>
    %all_reduce_population_count3A_684 = tpu.all_reduce %eq3A_612 {dim = 0 : i64, kind = #tpu.reduction_kind<sum>} : vector<16xi1> -> vector<16xi32>
    %add3A_685 = arith.addi %add3A_500, %all_reduce_population_count3A_677 : vector<16xi32>
    %add3A_686 = arith.addi %add3A_685, %all_reduce_population_count3A_678 : vector<16xi32>
    %add3A_687 = arith.addi %add3A_686, %all_reduce_population_count3A_679 : vector<16xi32>
    %add3A_688 = arith.addi %add3A_687, %all_reduce_population_count3A_680 : vector<16xi32>
    %add3A_689 = arith.addi %add3A_688, %all_reduce_population_count3A_681 : vector<16xi32>
    %add3A_690 = arith.addi %add3A_689, %all_reduce_population_count3A_682 : vector<16xi32>
    %add3A_691 = arith.addi %add3A_690, %all_reduce_population_count3A_683 : vector<16xi32>
    %add3A_692 = arith.addi %add3A_691, %all_reduce_population_count3A_684 : vector<16xi32>
    %add3A_693 = arith.addi %add3A_500, %masked_cumsum3A_655 : vector<16xi32>
    %sub3A_694 = arith.subi %add3A_693, %select_n3A_617 : vector<16xi32>
    %add3A_695 = arith.constant 384 : i32
    %add3A_696 = arith.addi %mul3A_0, %add3A_695 : i32
    %add3A_697 = vector.broadcast %add3A_696 : i32 to vector<16xi32>
    %add3A_698 = arith.addi %add3A_697, %iota3A : vector<16xi32>
    %min3A_699 = arith.constant 47 : i32
    %min3A_700 = vector.broadcast %min3A_699 : i32 to vector<16xi32>
    %min3A_701 = arith.minsi %sub3A_694, %min3A_700 : vector<16xi32>
    tpu.vector_store_idx %arg15[%min3A_701], %add3A_698 masked %eq3A_591 : memref<48xi32, #tpu.memory_space<vmem>>[vector<16xi32>], vector<16xi32>, vector<16xi1>
    %add3A_702 = arith.addi %add3A_685, %masked_cumsum3A_658 : vector<16xi32>
    %sub3A_703 = arith.subi %add3A_702, %select_n3A_622 : vector<16xi32>
    %add3A_704 = arith.constant 400 : i32
    %add3A_705 = arith.addi %mul3A_0, %add3A_704 : i32
    %add3A_706 = vector.broadcast %add3A_705 : i32 to vector<16xi32>
    %add3A_707 = arith.addi %add3A_706, %iota3A : vector<16xi32>
    %min3A_708 = arith.constant 47 : i32
    %min3A_709 = vector.broadcast %min3A_708 : i32 to vector<16xi32>
    %min3A_710 = arith.minsi %sub3A_703, %min3A_709 : vector<16xi32>
    tpu.vector_store_idx %arg15[%min3A_710], %add3A_707 masked %eq3A_594 : memref<48xi32, #tpu.memory_space<vmem>>[vector<16xi32>], vector<16xi32>, vector<16xi1>
    %add3A_711 = arith.addi %add3A_686, %masked_cumsum3A_661 : vector<16xi32>
    %sub3A_712 = arith.subi %add3A_711, %select_n3A_627 : vector<16xi32>
    %add3A_713 = arith.constant 416 : i32
    %add3A_714 = arith.addi %mul3A_0, %add3A_713 : i32
    %add3A_715 = vector.broadcast %add3A_714 : i32 to vector<16xi32>
    %add3A_716 = arith.addi %add3A_715, %iota3A : vector<16xi32>
    %min3A_717 = arith.constant 47 : i32
    %min3A_718 = vector.broadcast %min3A_717 : i32 to vector<16xi32>
    %min3A_719 = arith.minsi %sub3A_712, %min3A_718 : vector<16xi32>
    tpu.vector_store_idx %arg15[%min3A_719], %add3A_716 masked %eq3A_597 : memref<48xi32, #tpu.memory_space<vmem>>[vector<16xi32>], vector<16xi32>, vector<16xi1>
    %add3A_720 = arith.addi %add3A_687, %masked_cumsum3A_664 : vector<16xi32>
    %sub3A_721 = arith.subi %add3A_720, %select_n3A_632 : vector<16xi32>
    %add3A_722 = arith.constant 432 : i32
    %add3A_723 = arith.addi %mul3A_0, %add3A_722 : i32
    %add3A_724 = vector.broadcast %add3A_723 : i32 to vector<16xi32>
    %add3A_725 = arith.addi %add3A_724, %iota3A : vector<16xi32>
    %min3A_726 = arith.constant 47 : i32
    %min3A_727 = vector.broadcast %min3A_726 : i32 to vector<16xi32>
    %min3A_728 = arith.minsi %sub3A_721, %min3A_727 : vector<16xi32>
    tpu.vector_store_idx %arg15[%min3A_728], %add3A_725 masked %eq3A_600 : memref<48xi32, #tpu.memory_space<vmem>>[vector<16xi32>], vector<16xi32>, vector<16xi1>
    %add3A_729 = arith.addi %add3A_688, %masked_cumsum3A_667 : vector<16xi32>
    %sub3A_730 = arith.subi %add3A_729, %select_n3A_637 : vector<16xi32>
    %add3A_731 = arith.constant 448 : i32
    %add3A_732 = arith.addi %mul3A_0, %add3A_731 : i32
    %add3A_733 = vector.broadcast %add3A_732 : i32 to vector<16xi32>
    %add3A_734 = arith.addi %add3A_733, %iota3A : vector<16xi32>
    %min3A_735 = arith.constant 47 : i32
    %min3A_736 = vector.broadcast %min3A_735 : i32 to vector<16xi32>
    %min3A_737 = arith.minsi %sub3A_730, %min3A_736 : vector<16xi32>
    tpu.vector_store_idx %arg15[%min3A_737], %add3A_734 masked %eq3A_603 : memref<48xi32, #tpu.memory_space<vmem>>[vector<16xi32>], vector<16xi32>, vector<16xi1>
    %add3A_738 = arith.addi %add3A_689, %masked_cumsum3A_670 : vector<16xi32>
    %sub3A_739 = arith.subi %add3A_738, %select_n3A_642 : vector<16xi32>
    %add3A_740 = arith.constant 464 : i32
    %add3A_741 = arith.addi %mul3A_0, %add3A_740 : i32
    %add3A_742 = vector.broadcast %add3A_741 : i32 to vector<16xi32>
    %add3A_743 = arith.addi %add3A_742, %iota3A : vector<16xi32>
    %min3A_744 = arith.constant 47 : i32
    %min3A_745 = vector.broadcast %min3A_744 : i32 to vector<16xi32>
    %min3A_746 = arith.minsi %sub3A_739, %min3A_745 : vector<16xi32>
    tpu.vector_store_idx %arg15[%min3A_746], %add3A_743 masked %eq3A_606 : memref<48xi32, #tpu.memory_space<vmem>>[vector<16xi32>], vector<16xi32>, vector<16xi1>
    %add3A_747 = arith.addi %add3A_690, %masked_cumsum3A_673 : vector<16xi32>
    %sub3A_748 = arith.subi %add3A_747, %select_n3A_647 : vector<16xi32>
    %add3A_749 = arith.constant 480 : i32
    %add3A_750 = arith.addi %mul3A_0, %add3A_749 : i32
    %add3A_751 = vector.broadcast %add3A_750 : i32 to vector<16xi32>
    %add3A_752 = arith.addi %add3A_751, %iota3A : vector<16xi32>
    %min3A_753 = arith.constant 47 : i32
    %min3A_754 = vector.broadcast %min3A_753 : i32 to vector<16xi32>
    %min3A_755 = arith.minsi %sub3A_748, %min3A_754 : vector<16xi32>
    tpu.vector_store_idx %arg15[%min3A_755], %add3A_752 masked %eq3A_609 : memref<48xi32, #tpu.memory_space<vmem>>[vector<16xi32>], vector<16xi32>, vector<16xi1>
    %add3A_756 = arith.addi %add3A_691, %masked_cumsum3A_676 : vector<16xi32>
    %sub3A_757 = arith.subi %add3A_756, %select_n3A_652 : vector<16xi32>
    %add3A_758 = arith.constant 496 : i32
    %add3A_759 = arith.addi %mul3A_0, %add3A_758 : i32
    %add3A_760 = vector.broadcast %add3A_759 : i32 to vector<16xi32>
    %add3A_761 = arith.addi %add3A_760, %iota3A : vector<16xi32>
    %min3A_762 = arith.constant 47 : i32
    %min3A_763 = vector.broadcast %min3A_762 : i32 to vector<16xi32>
    %min3A_764 = arith.minsi %sub3A_757, %min3A_763 : vector<16xi32>
    tpu.vector_store_idx %arg15[%min3A_764], %add3A_761 masked %eq3A_612 : memref<48xi32, #tpu.memory_space<vmem>>[vector<16xi32>], vector<16xi32>, vector<16xi1>
    %swap3A = arith.constant 0 : index
    %swap3A_765 = tpu.vector_load %arg16[%swap3A] {strides = array<i32>} : memref<16xi32, #tpu.memory_space<vmem>>, vector<16xi32>,
    tpu.vector_store %arg16[%swap3A], %add3A_692 {strides = array<i32>} : memref<16xi32, #tpu.memory_space<vmem>>, vector<16xi32>,
    %mul3A_766 = arith.constant 16 : i32
    %mul3A_767 = arith.muli %arg1, %mul3A_766 : i32
    "tpu.region"() ({
      %run_scoped3A = tpu.sem_alloc : memref<!tpu.dma_semaphore, #tpu.memory_space<semaphore_mem>>
      %dma_start3A_962 = tpu.memref_slice %arg26[%mul3A_767] : memref<256xi32, #tpu.memory_space<vmem_shared>> -> memref<16xi32, #tpu.memory_space<vmem_shared>>
      %dma_start3A_963 = tpu.memref_slice %arg26[%mul3A_767] : memref<256xi32, #tpu.memory_space<vmem_shared>> -> memref<16xi32, #tpu.memory_space<vmem_shared>>
      tpu.enqueue_dma source(%arg16 : memref<16xi32, #tpu.memory_space<vmem>>) target(%dma_start3A_963 : memref<16xi32, #tpu.memory_space<vmem_shared>>) target_semaphore(%run_scoped3A : memref<!tpu.dma_semaphore, #tpu.memory_space<semaphore_mem>>)
      %dma_wait3A_964 = tpu.memref_slice %arg26[%mul3A_767] : memref<256xi32, #tpu.memory_space<vmem_shared>> -> memref<16xi32, #tpu.memory_space<vmem_shared>>
      %dma_wait3A_965 = tpu.memref_slice %arg26[%mul3A_767] : memref<256xi32, #tpu.memory_space<vmem_shared>> -> memref<16xi32, #tpu.memory_space<vmem_shared>>
      tpu.wait_dma2 semaphore(%run_scoped3A : memref<!tpu.dma_semaphore, #tpu.memory_space<semaphore_mem>>) src(%arg16 : memref<16xi32, #tpu.memory_space<vmem>>) dst(%dma_wait3A_965 : memref<16xi32, #tpu.memory_space<vmem_shared>>)
      tpu.yield
    }) : () -> ()
    tpu.wait_dma2 semaphore(%arg30 : memref<!tpu.dma_semaphore, #tpu.memory_space<semaphore_mem>>) src(%arg4 : memref<32xi32, #tpu.memory_space<hbm>>) dst(%arg20 : memref<32xi32, #tpu.memory_space<vmem>>)
    tpu.wait_dma2 semaphore(%arg31 : memref<!tpu.dma_semaphore, #tpu.memory_space<semaphore_mem>>) src(%arg5 : memref<32xi32, #tpu.memory_space<hbm>>) dst(%arg21 : memref<32xi32, #tpu.memory_space<vmem>>)
    %get3A_768 = arith.constant 0 : index
    %get3A_769 = tpu.vector_load %arg20[%get3A_768] {strides = array<i32>} : memref<32xi32, #tpu.memory_space<vmem>>, vector<16xi32>,
    %get3A_770 = arith.constant 16 : index
    %get3A_771 = tpu.vector_load %arg20[%get3A_770] {strides = array<i32>} : memref<32xi32, #tpu.memory_space<vmem>>, vector<16xi32>,
    %get3A_772 = arith.constant 0 : index
    %get3A_773 = tpu.vector_load %arg21[%get3A_772] {strides = array<i32>} : memref<32xi32, #tpu.memory_space<vmem>>, vector<16xi32>,
    %get3A_774 = arith.constant 16 : index
    %get3A_775 = tpu.vector_load %arg21[%get3A_774] {strides = array<i32>} : memref<32xi32, #tpu.memory_space<vmem>>, vector<16xi32>,
    %gt3A = arith.constant 0 : i32
    %gt3A_776 = vector.broadcast %gt3A : i32 to vector<16xi32>
    %gt3A_777 = arith.cmpi sgt, %get3A_769, %gt3A_776 : vector<16xi32>
    %jit3A_778 = arith.constant 1 : i32
    %jit3A_779 = arith.constant 0 : i32
    %broadcast_in_dim3A_780 = vector.broadcast %jit3A_778 : i32 to vector<16xi32>
    %broadcast_in_dim3A_781 = vector.broadcast %jit3A_779 : i32 to vector<16xi32>
    %select_n3A_782 = arith.select %gt3A_777, %broadcast_in_dim3A_780, %broadcast_in_dim3A_781 : vector<16xi1>, vector<16xi32>
    %add3A_783 = arith.addi %get3A_769, %select_n3A_782 : vector<16xi32>
    %gt3A_784 = arith.constant 0 : i32
    %gt3A_785 = vector.broadcast %gt3A_784 : i32 to vector<16xi32>
    %gt3A_786 = arith.cmpi sgt, %get3A_771, %gt3A_785 : vector<16xi32>
    %jit3A_787 = arith.constant 1 : i32
    %jit3A_788 = arith.constant 0 : i32
    %broadcast_in_dim3A_789 = vector.broadcast %jit3A_787 : i32 to vector<16xi32>
    %broadcast_in_dim3A_790 = vector.broadcast %jit3A_788 : i32 to vector<16xi32>
    %select_n3A_791 = arith.select %gt3A_786, %broadcast_in_dim3A_789, %broadcast_in_dim3A_790 : vector<16xi1>, vector<16xi32>
    %add3A_792 = arith.addi %get3A_771, %select_n3A_791 : vector<16xi32>
    %add3A_793 = arith.constant 31 : i32
    %add3A_794 = vector.broadcast %add3A_793 : i32 to vector<16xi32>
    %add3A_795 = arith.addi %add3A_783, %add3A_794 : vector<16xi32>
    %shift_right_arithmetic3A = arith.constant 5 : i32
    %shift_right_arithmetic3A_796 = vector.broadcast %shift_right_arithmetic3A : i32 to vector<16xi32>
    %shift_right_arithmetic3A_797 = arith.shrsi %add3A_795, %shift_right_arithmetic3A_796 : vector<16xi32>
    %add3A_798 = arith.constant 31 : i32
    %add3A_799 = vector.broadcast %add3A_798 : i32 to vector<16xi32>
    %add3A_800 = arith.addi %add3A_792, %add3A_799 : vector<16xi32>
    %shift_right_arithmetic3A_801 = arith.constant 5 : i32
    %shift_right_arithmetic3A_802 = vector.broadcast %shift_right_arithmetic3A_801 : i32 to vector<16xi32>
    %shift_right_arithmetic3A_803 = arith.shrsi %add3A_800, %shift_right_arithmetic3A_802 : vector<16xi32>
    %gt3A_804 = arith.cmpi sgt, %shift_right_arithmetic3A_797, %get3A_773 : vector<16xi32>
    %gt3A_805 = arith.cmpi sgt, %shift_right_arithmetic3A_803, %get3A_775 : vector<16xi32>
    %jit3A_806 = arith.constant 1 : i32
    %jit3A_807 = arith.constant 0 : i32
    %broadcast_in_dim3A_808 = vector.broadcast %jit3A_806 : i32 to vector<16xi32>
    %broadcast_in_dim3A_809 = vector.broadcast %jit3A_807 : i32 to vector<16xi32>
    %select_n3A_810 = arith.select %gt3A_804, %broadcast_in_dim3A_808, %broadcast_in_dim3A_809 : vector<16xi1>, vector<16xi32>
    %jit3A_811 = arith.constant 1 : i32
    %jit3A_812 = arith.constant 0 : i32
    %broadcast_in_dim3A_813 = vector.broadcast %jit3A_811 : i32 to vector<16xi32>
    %broadcast_in_dim3A_814 = vector.broadcast %jit3A_812 : i32 to vector<16xi32>
    %select_n3A_815 = arith.select %gt3A_805, %broadcast_in_dim3A_813, %broadcast_in_dim3A_814 : vector<16xi1>, vector<16xi32>
    %broadcast_in_dim3A_816 = arith.constant true
    %broadcast_in_dim3A_817 = vector.broadcast %broadcast_in_dim3A_816 : i1 to vector<16xi1>
    %masked_cumsum3A_818 = tpu.scan <sum>, %select_n3A_810 masked %broadcast_in_dim3A_817 : vector<16xi32>, vector<16xi1> -> vector<16xi32>
    %sub3A_819 = arith.subi %masked_cumsum3A_818, %select_n3A_810 : vector<16xi32>
    %reduce_sum3A = arith.constant true
    %reduce_sum3A_820 = vector.broadcast %reduce_sum3A : i1 to vector<16xi1>
    %reduce_sum3A_821 = tpu.scan <sum>, %select_n3A_810 masked %reduce_sum3A_820 : vector<16xi32>, vector<16xi1> -> vector<16xi32>
    %reduce_sum3A_822 = vector.extract %reduce_sum3A_821[15] : i32 from vector<16xi32>
    %broadcast_in_dim3A_823 = arith.constant true
    %broadcast_in_dim3A_824 = vector.broadcast %broadcast_in_dim3A_823 : i1 to vector<16xi1>
    %masked_cumsum3A_825 = tpu.scan <sum>, %select_n3A_815 masked %broadcast_in_dim3A_824 : vector<16xi32>, vector<16xi1> -> vector<16xi32>
    %sub3A_826 = arith.subi %masked_cumsum3A_825, %select_n3A_815 : vector<16xi32>
    %add3A_827 = vector.broadcast %reduce_sum3A_822 : i32 to vector<16xi32>
    %add3A_828 = arith.addi %sub3A_826, %add3A_827 : vector<16xi32>
    %reduce_sum3A_829 = arith.constant true
    %reduce_sum3A_830 = vector.broadcast %reduce_sum3A_829 : i1 to vector<16xi1>
    %reduce_sum3A_831 = tpu.scan <sum>, %select_n3A_815 masked %reduce_sum3A_830 : vector<16xi32>, vector<16xi1> -> vector<16xi32>
    %reduce_sum3A_832 = vector.extract %reduce_sum3A_831[15] : i32 from vector<16xi32>
    %add3A_833 = arith.addi %reduce_sum3A_822, %reduce_sum3A_832 : i32
    %eq3A_834 = arith.constant 1 : i32
    %eq3A_835 = arith.cmpi eq, %arg1, %eq3A_834 : i32
    %convert_element_type3A = arith.extui %eq3A_835 : i1 to i32
    %cond3A = arith.constant 0 : i32
    %cond3A_836 = arith.cmpi ne, %convert_element_type3A, %cond3A : i32
    scf.if %cond3A_836 {
      %swap3A_962 = arith.constant 0 : index
      %swap3A_963 = tpu.vector_load %arg20[%swap3A_962] {strides = array<i32>} : memref<32xi32, #tpu.memory_space<vmem>>, vector<16xi32>,
      tpu.vector_store %arg20[%swap3A_962], %add3A_783 {strides = array<i32>} : memref<32xi32, #tpu.memory_space<vmem>>, vector<16xi32>,
      %swap3A_964 = arith.constant 16 : index
      %swap3A_965 = tpu.vector_load %arg20[%swap3A_964] {strides = array<i32>} : memref<32xi32, #tpu.memory_space<vmem>>, vector<16xi32>,
      tpu.vector_store %arg20[%swap3A_964], %add3A_792 {strides = array<i32>} : memref<32xi32, #tpu.memory_space<vmem>>, vector<16xi32>,
      tpu.enqueue_dma source(%arg20 : memref<32xi32, #tpu.memory_space<vmem>>) target(%arg9 : memref<32xi32, #tpu.memory_space<hbm>>) target_semaphore(%arg32 : memref<!tpu.dma_semaphore, #tpu.memory_space<semaphore_mem>>)
      tpu.wait_dma2 semaphore(%arg32 : memref<!tpu.dma_semaphore, #tpu.memory_space<semaphore_mem>>) src(%arg20 : memref<32xi32, #tpu.memory_space<vmem>>) dst(%arg9 : memref<32xi32, #tpu.memory_space<hbm>>)
    } else {
    }
    %eq3A_837 = arith.constant 2 : i32
    %eq3A_838 = arith.cmpi eq, %arg1, %eq3A_837 : i32
    %convert_element_type3A_839 = arith.extui %eq3A_838 : i1 to i32
    %cond3A_840 = arith.constant 0 : i32
    %cond3A_841 = arith.cmpi ne, %convert_element_type3A_839, %cond3A_840 : i32
    scf.if %cond3A_841 {
      %swap3A_962 = arith.constant 0 : index
      %swap3A_963 = tpu.vector_load %arg21[%swap3A_962] {strides = array<i32>} : memref<32xi32, #tpu.memory_space<vmem>>, vector<16xi32>,
      tpu.vector_store %arg21[%swap3A_962], %shift_right_arithmetic3A_797 {strides = array<i32>} : memref<32xi32, #tpu.memory_space<vmem>>, vector<16xi32>,
      %swap3A_964 = arith.constant 16 : index
      %swap3A_965 = tpu.vector_load %arg21[%swap3A_964] {strides = array<i32>} : memref<32xi32, #tpu.memory_space<vmem>>, vector<16xi32>,
      tpu.vector_store %arg21[%swap3A_964], %shift_right_arithmetic3A_803 {strides = array<i32>} : memref<32xi32, #tpu.memory_space<vmem>>, vector<16xi32>,
      tpu.enqueue_dma source(%arg21 : memref<32xi32, #tpu.memory_space<vmem>>) target(%arg10 : memref<32xi32, #tpu.memory_space<hbm>>) target_semaphore(%arg32 : memref<!tpu.dma_semaphore, #tpu.memory_space<semaphore_mem>>)
      tpu.wait_dma2 semaphore(%arg32 : memref<!tpu.dma_semaphore, #tpu.memory_space<semaphore_mem>>) src(%arg21 : memref<32xi32, #tpu.memory_space<vmem>>) dst(%arg10 : memref<32xi32, #tpu.memory_space<hbm>>)
    } else {
    }
    %eq3A_842 = arith.constant 3 : i32
    %eq3A_843 = arith.cmpi eq, %arg1, %eq3A_842 : i32
    %convert_element_type3A_844 = arith.extui %eq3A_843 : i1 to i32
    %cond3A_845 = arith.constant 0 : i32
    %cond3A_846 = arith.cmpi ne, %convert_element_type3A_844, %cond3A_845 : i32
    scf.if %cond3A_846 {
      %gt3A_962 = arith.constant 0 : i32
      %gt3A_963 = vector.broadcast %gt3A_962 : i32 to vector<16xi32>
      %gt3A_964 = arith.cmpi sgt, %add3A_783, %gt3A_963 : vector<16xi32>
      %sub3A_965 = arith.constant 1 : i32
      %sub3A_966 = vector.broadcast %sub3A_965 : i32 to vector<16xi32>
      %sub3A_967 = arith.subi %add3A_783, %sub3A_966 : vector<16xi32>
      %and3A_968 = arith.constant 31 : i32
      %and3A_969 = vector.broadcast %and3A_968 : i32 to vector<16xi32>
      %and3A_970 = arith.andi %sub3A_967, %and3A_969 : vector<16xi32>
      %jit3A_971 = arith.constant 0 : i32
      %broadcast_in_dim3A_972 = vector.broadcast %jit3A_971 : i32 to vector<16xi32>
      %select_n3A_973 = arith.select %gt3A_964, %and3A_970, %broadcast_in_dim3A_972 : vector<16xi1>, vector<16xi32>
      %swap3A_974 = arith.constant 0 : index
      %swap3A_975 = tpu.vector_load %arg23[%swap3A_974] {strides = array<i32>} : memref<32xi32, #tpu.memory_space<vmem>>, vector<16xi32>,
      tpu.vector_store %arg23[%swap3A_974], %select_n3A_973 {strides = array<i32>} : memref<32xi32, #tpu.memory_space<vmem>>, vector<16xi32>,
      %gt3A_976 = arith.constant 0 : i32
      %gt3A_977 = vector.broadcast %gt3A_976 : i32 to vector<16xi32>
      %gt3A_978 = arith.cmpi sgt, %add3A_792, %gt3A_977 : vector<16xi32>
      %sub3A_979 = arith.constant 1 : i32
      %sub3A_980 = vector.broadcast %sub3A_979 : i32 to vector<16xi32>
      %sub3A_981 = arith.subi %add3A_792, %sub3A_980 : vector<16xi32>
      %and3A_982 = arith.constant 31 : i32
      %and3A_983 = vector.broadcast %and3A_982 : i32 to vector<16xi32>
      %and3A_984 = arith.andi %sub3A_981, %and3A_983 : vector<16xi32>
      %jit3A_985 = arith.constant 0 : i32
      %broadcast_in_dim3A_986 = vector.broadcast %jit3A_985 : i32 to vector<16xi32>
      %select_n3A_987 = arith.select %gt3A_978, %and3A_984, %broadcast_in_dim3A_986 : vector<16xi1>, vector<16xi32>
      %swap3A_988 = arith.constant 16 : index
      %swap3A_989 = tpu.vector_load %arg23[%swap3A_988] {strides = array<i32>} : memref<32xi32, #tpu.memory_space<vmem>>, vector<16xi32>,
      tpu.vector_store %arg23[%swap3A_988], %select_n3A_987 {strides = array<i32>} : memref<32xi32, #tpu.memory_space<vmem>>, vector<16xi32>,
      tpu.enqueue_dma source(%arg23 : memref<32xi32, #tpu.memory_space<vmem>>) target(%arg12 : memref<32xi32, #tpu.memory_space<hbm>>) target_semaphore(%arg32 : memref<!tpu.dma_semaphore, #tpu.memory_space<semaphore_mem>>)
      tpu.wait_dma2 semaphore(%arg32 : memref<!tpu.dma_semaphore, #tpu.memory_space<semaphore_mem>>) src(%arg23 : memref<32xi32, #tpu.memory_space<vmem>>) dst(%arg12 : memref<32xi32, #tpu.memory_space<hbm>>)
    } else {
    }
    %eq3A_847 = arith.constant 0 : i32
    %eq3A_848 = arith.cmpi eq, %arg1, %eq3A_847 : i32
    %convert_element_type3A_849 = arith.extui %eq3A_848 : i1 to i32
    %cond3A_850 = arith.constant 0 : i32
    %cond3A_851 = arith.cmpi ne, %convert_element_type3A_849, %cond3A_850 : i32
    scf.if %cond3A_851 {
      %sub3A_962 = arith.constant 1 : i32
      %sub3A_963 = vector.broadcast %sub3A_962 : i32 to vector<16xi32>
      %sub3A_964 = arith.subi %shift_right_arithmetic3A_797, %sub3A_963 : vector<16xi32>
      %max3A_965 = arith.constant 0 : i32
      %max3A_966 = vector.broadcast %max3A_965 : i32 to vector<16xi32>
      %max3A_967 = arith.maxsi %sub3A_964, %max3A_966 : vector<16xi32>
      %sub3A_968 = arith.constant 1 : i32
      %sub3A_969 = vector.broadcast %sub3A_968 : i32 to vector<16xi32>
      %sub3A_970 = arith.subi %shift_right_arithmetic3A_803, %sub3A_969 : vector<16xi32>
      %max3A_971 = arith.constant 0 : i32
      %max3A_972 = vector.broadcast %max3A_971 : i32 to vector<16xi32>
      %max3A_973 = arith.maxsi %sub3A_970, %max3A_972 : vector<16xi32>
      %mul3A_974 = arith.constant 256 : i32
      %mul3A_975 = vector.broadcast %mul3A_974 : i32 to vector<16xi32>
      %mul3A_976 = arith.muli %iota3A, %mul3A_975 : vector<16xi32>
      %add3A_977 = arith.addi %mul3A_976, %max3A_967 : vector<16xi32>
      %swap3A_978 = arith.constant 0 : index
      %swap3A_979 = tpu.vector_load %arg24[%swap3A_978] {strides = array<i32>} : memref<32xi32, #tpu.memory_space<vmem>>, vector<16xi32>,
      tpu.vector_store %arg24[%swap3A_978], %add3A_977 {strides = array<i32>} : memref<32xi32, #tpu.memory_space<vmem>>, vector<16xi32>,
      %add3A_980 = arith.constant 16 : i32
      %add3A_981 = vector.broadcast %add3A_980 : i32 to vector<16xi32>
      %add3A_982 = arith.addi %add3A_981, %iota3A : vector<16xi32>
      %mul3A_983 = arith.constant 256 : i32
      %mul3A_984 = vector.broadcast %mul3A_983 : i32 to vector<16xi32>
      %mul3A_985 = arith.muli %add3A_982, %mul3A_984 : vector<16xi32>
      %add3A_986 = arith.addi %mul3A_985, %max3A_973 : vector<16xi32>
      %swap3A_987 = arith.constant 16 : index
      %swap3A_988 = tpu.vector_load %arg24[%swap3A_987] {strides = array<i32>} : memref<32xi32, #tpu.memory_space<vmem>>, vector<16xi32>,
      tpu.vector_store %arg24[%swap3A_987], %add3A_986 {strides = array<i32>} : memref<32xi32, #tpu.memory_space<vmem>>, vector<16xi32>,
      %dma_start3A_989 = arith.constant 0 : i32
      %dma_start3A_990 = tpu.memref_slice %arg3[%dma_start3A_989] : memref<8192xi32, #tpu.memory_space<hbm>> -> memref<8192xi32, #tpu.memory_space<hbm>>
      tpu.enqueue_indirect_dma source(%dma_start3A_990 : memref<8192xi32, #tpu.memory_space<hbm>>) target(%arg25 : memref<32xi32, #tpu.memory_space<vmem>>) offsets(%arg24 : memref<32xi32, #tpu.memory_space<vmem>>) semaphore(%arg32 : memref<!tpu.dma_semaphore, #tpu.memory_space<semaphore_mem>>)
      %dma_wait3A_991 = arith.constant 0 : i32
      %dma_wait3A_992 = tpu.memref_slice %arg3[%dma_wait3A_991] : memref<8192xi32, #tpu.memory_space<hbm>> -> memref<8192xi32, #tpu.memory_space<hbm>>
      tpu.wait_indirect_dma semaphore(%arg32 : memref<!tpu.dma_semaphore, #tpu.memory_space<semaphore_mem>>) src(%dma_wait3A_992 : memref<8192xi32, #tpu.memory_space<hbm>>) dst(%arg25 : memref<32xi32, #tpu.memory_space<vmem>>)
    } else {
    }
    %eq3A_852 = arith.constant 4 : i32
    %eq3A_853 = arith.cmpi eq, %arg1, %eq3A_852 : i32
    %convert_element_type3A_854 = arith.extui %eq3A_853 : i1 to i32
    %cond3A_855 = arith.constant 0 : i32
    %cond3A_856 = arith.cmpi ne, %convert_element_type3A_854, %cond3A_855 : i32
    scf.if %cond3A_856 {
      tpu.enqueue_dma source(%arg6 : memref<32xi32, #tpu.memory_space<hbm>>) target(%arg22 : memref<32xi32, #tpu.memory_space<vmem>>) target_semaphore(%arg32 : memref<!tpu.dma_semaphore, #tpu.memory_space<semaphore_mem>>)
      tpu.wait_dma2 semaphore(%arg32 : memref<!tpu.dma_semaphore, #tpu.memory_space<semaphore_mem>>) src(%arg6 : memref<32xi32, #tpu.memory_space<hbm>>) dst(%arg22 : memref<32xi32, #tpu.memory_space<vmem>>)
    } else {
    }
    %barrier3A = arith.constant 0 : index
    tpu.barrier barrier_id(%barrier3A)
    "tpu.region"() ({
      %run_scoped3A = tpu.sem_alloc : memref<!tpu.dma_semaphore, #tpu.memory_space<semaphore_mem>>
      tpu.enqueue_dma source(%arg26 : memref<256xi32, #tpu.memory_space<vmem_shared>>) target(%arg17 : memref<256xi32, #tpu.memory_space<vmem>>) target_semaphore(%run_scoped3A : memref<!tpu.dma_semaphore, #tpu.memory_space<semaphore_mem>>)
      tpu.wait_dma2 semaphore(%run_scoped3A : memref<!tpu.dma_semaphore, #tpu.memory_space<semaphore_mem>>) src(%arg26 : memref<256xi32, #tpu.memory_space<vmem_shared>>) dst(%arg17 : memref<256xi32, #tpu.memory_space<vmem>>)
      tpu.yield
    }) : () -> ()
    %mul3A_857 = arith.constant 16 : i32
    %mul3A_858 = vector.broadcast %mul3A_857 : i32 to vector<16xi32>
    %mul3A_859 = arith.muli %iota3A, %mul3A_858 : vector<16xi32>
    %gather3A = tpu.vector_load_idx %arg17[%mul3A_859] : memref<256xi32, #tpu.memory_space<vmem>>[vector<16xi32>], vector<16xi32>,
    %broadcast_in_dim3A_860 = arith.constant true
    %broadcast_in_dim3A_861 = vector.broadcast %broadcast_in_dim3A_860 : i1 to vector<16xi1>
    %masked_cumsum3A_862 = tpu.scan <sum>, %gather3A masked %broadcast_in_dim3A_861 : vector<16xi32>, vector<16xi1> -> vector<16xi32>
    %sub3A_863 = arith.subi %masked_cumsum3A_862, %gather3A : vector<16xi32>
    %reduce_max3A = arith.constant true
    %reduce_max3A_864 = vector.broadcast %reduce_max3A : i1 to vector<16xi1>
    %reduce_max3A_865 = arith.constant -2147483648 : i32
    %reduce_max3A_866 = vector.broadcast %reduce_max3A_865 : i32 to vector<16xi32>
    %reduce_max3A_867 = arith.xori %masked_cumsum3A_862, %reduce_max3A_866 : vector<16xi32>
    %reduce_max3A_868 = tpu.scan <max>, %reduce_max3A_867 masked %reduce_max3A_864 : vector<16xi32>, vector<16xi1> -> vector<16xi32>
    %reduce_max3A_869 = arith.xori %reduce_max3A_868, %reduce_max3A_866 : vector<16xi32>
    %reduce_max3A_870 = vector.extract %reduce_max3A_869[15] : i32 from vector<16xi32>
    %eq3A_871 = vector.broadcast %arg1 : i32 to vector<16xi32>
    %eq3A_872 = arith.cmpi eq, %iota3A, %eq3A_871 : vector<16xi32>
    %jit3A_873 = arith.constant 0 : i32
    %broadcast_in_dim3A_874 = vector.broadcast %jit3A_873 : i32 to vector<16xi32>
    %select_n3A_875 = arith.select %eq3A_872, %sub3A_863, %broadcast_in_dim3A_874 : vector<16xi1>, vector<16xi32>
    %reduce_sum3A_876 = arith.constant true
    %reduce_sum3A_877 = vector.broadcast %reduce_sum3A_876 : i1 to vector<16xi1>
    %reduce_sum3A_878 = tpu.scan <sum>, %select_n3A_875 masked %reduce_sum3A_877 : vector<16xi32>, vector<16xi1> -> vector<16xi32>
    %reduce_sum3A_879 = vector.extract %reduce_sum3A_878[15] : i32 from vector<16xi32>
    %min3A_880 = arith.minsi %add3A_833, %reduce_max3A_870 : i32
    %add3A_881 = arith.constant 0 : i32
    %add3A_882 = vector.broadcast %add3A_881 : i32 to vector<16xi32>
    %add3A_883 = arith.addi %add3A_882, %iota3A : vector<16xi32>
    %add3A_884 = vector.broadcast %reduce_sum3A_879 : i32 to vector<16xi32>
    %add3A_885 = arith.addi %add3A_884, %add3A_883 : vector<16xi32>
    %lt3A = arith.cmpi slt, %add3A_883, %add3A_692 : vector<16xi32>
    %lt3A_886 = arith.constant 32 : i32
    %lt3A_887 = vector.broadcast %lt3A_886 : i32 to vector<16xi32>
    %lt3A_888 = arith.cmpi slt, %add3A_885, %lt3A_887 : vector<16xi32>
    %and3A = arith.andi %lt3A, %lt3A_888 : vector<16xi1>
    %jit3A_889 = arith.constant 47 : i32
    %broadcast_in_dim3A_890 = vector.broadcast %jit3A_889 : i32 to vector<16xi32>
    %select_n3A_891 = arith.select %and3A, %add3A_885, %broadcast_in_dim3A_890 : vector<16xi1>, vector<16xi32>
    %swap3A_892 = arith.constant 0 : index
    %swap3A_893 = tpu.vector_load %arg18[%swap3A_892] {strides = array<i32>} : memref<32xi32, #tpu.memory_space<vmem>>, vector<16xi32>,
    tpu.vector_store %arg18[%swap3A_892], %select_n3A_891 {strides = array<i32>} : memref<32xi32, #tpu.memory_space<vmem>>, vector<16xi32>,
    %add3A_894 = arith.constant 16 : i32
    %add3A_895 = vector.broadcast %add3A_894 : i32 to vector<16xi32>
    %add3A_896 = arith.addi %add3A_895, %iota3A : vector<16xi32>
    %add3A_897 = vector.broadcast %reduce_sum3A_879 : i32 to vector<16xi32>
    %add3A_898 = arith.addi %add3A_897, %add3A_896 : vector<16xi32>
    %lt3A_899 = arith.cmpi slt, %add3A_896, %add3A_692 : vector<16xi32>
    %lt3A_900 = arith.constant 32 : i32
    %lt3A_901 = vector.broadcast %lt3A_900 : i32 to vector<16xi32>
    %lt3A_902 = arith.cmpi slt, %add3A_898, %lt3A_901 : vector<16xi32>
    %and3A_903 = arith.andi %lt3A_899, %lt3A_902 : vector<16xi1>
    %jit3A_904 = arith.constant 47 : i32
    %broadcast_in_dim3A_905 = vector.broadcast %jit3A_904 : i32 to vector<16xi32>
    %select_n3A_906 = arith.select %and3A_903, %add3A_898, %broadcast_in_dim3A_905 : vector<16xi1>, vector<16xi32>
    %swap3A_907 = arith.constant 16 : index
    %swap3A_908 = tpu.vector_load %arg18[%swap3A_907] {strides = array<i32>} : memref<32xi32, #tpu.memory_space<vmem>>, vector<16xi32>,
    tpu.vector_store %arg18[%swap3A_907], %select_n3A_906 {strides = array<i32>} : memref<32xi32, #tpu.memory_space<vmem>>, vector<16xi32>,
    "tpu.region"() ({
      %run_scoped3A = tpu.sem_alloc : memref<!tpu.dma_semaphore, #tpu.memory_space<semaphore_mem>>
      %dma_start3A_962 = arith.constant 0 : i32
      %dma_start3A_963 = tpu.memref_slice %arg15[%dma_start3A_962] : memref<48xi32, #tpu.memory_space<vmem>> -> memref<32xi32, #tpu.memory_space<vmem>>
      %dma_start3A_964 = arith.constant 0 : i32
      %dma_start3A_965 = tpu.memref_slice %arg27[%dma_start3A_964] : memref<48xi32, #tpu.memory_space<vmem_shared>> -> memref<48xi32, #tpu.memory_space<vmem_shared>>
      tpu.enqueue_indirect_dma source(%dma_start3A_963 : memref<32xi32, #tpu.memory_space<vmem>>) target(%dma_start3A_965 : memref<48xi32, #tpu.memory_space<vmem_shared>>) offsets(%arg18 : memref<32xi32, #tpu.memory_space<vmem>>) semaphore(%run_scoped3A : memref<!tpu.dma_semaphore, #tpu.memory_space<semaphore_mem>>)
      %dma_wait3A_966 = arith.constant 0 : i32
      %dma_wait3A_967 = tpu.memref_slice %arg15[%dma_wait3A_966] : memref<48xi32, #tpu.memory_space<vmem>> -> memref<32xi32, #tpu.memory_space<vmem>>
      %dma_wait3A_968 = arith.constant 0 : i32
      %dma_wait3A_969 = tpu.memref_slice %arg27[%dma_wait3A_968] : memref<48xi32, #tpu.memory_space<vmem_shared>> -> memref<48xi32, #tpu.memory_space<vmem_shared>>
      tpu.wait_indirect_dma semaphore(%run_scoped3A : memref<!tpu.dma_semaphore, #tpu.memory_space<semaphore_mem>>) src(%dma_wait3A_967 : memref<32xi32, #tpu.memory_space<vmem>>) dst(%dma_wait3A_969 : memref<48xi32, #tpu.memory_space<vmem_shared>>)
      tpu.yield
    }) : () -> ()
    %sub3A_909 = arith.subi %min3A_880, %reduce_sum3A_879 : i32
    %broadcast_in_dim3A_910 = arith.constant 1 : i32
    %broadcast_in_dim3A_911 = vector.broadcast %broadcast_in_dim3A_910 : i32 to vector<16xi32>
    %add3A_912 = arith.constant 0 : i32
    %add3A_913 = vector.broadcast %add3A_912 : i32 to vector<16xi32>
    %add3A_914 = arith.addi %add3A_913, %iota3A : vector<16xi32>
    %get3A_915 = arith.constant 0 : index
    %get3A_916 = tpu.vector_load %arg15[%get3A_915] {strides = array<i32>} : memref<48xi32, #tpu.memory_space<vmem>>, vector<16xi32>,
    %lt3A_917 = arith.cmpi slt, %add3A_914, %add3A_692 : vector<16xi32>
    %lt3A_918 = vector.broadcast %sub3A_909 : i32 to vector<16xi32>
    %lt3A_919 = arith.cmpi slt, %add3A_914, %lt3A_918 : vector<16xi32>
    %and3A_920 = arith.andi %lt3A_917, %lt3A_919 : vector<16xi1>
    %sub3A_921 = vector.broadcast %mul3A_0 : i32 to vector<16xi32>
    %sub3A_922 = arith.subi %get3A_916, %sub3A_921 : vector<16xi32>
    %jit3A_923 = arith.constant 0 : i32
    %jit3A_924 = arith.constant 511 : i32
    %max3A = vector.broadcast %jit3A_923 : i32 to vector<16xi32>
    %max3A_925 = arith.maxsi %max3A, %sub3A_922 : vector<16xi32>
    %min3A_926 = vector.broadcast %jit3A_924 : i32 to vector<16xi32>
    %min3A_927 = arith.minsi %min3A_926, %max3A_925 : vector<16xi32>
    tpu.vector_store_idx %arg13[%min3A_927], %broadcast_in_dim3A_911 masked %and3A_920 : memref<512xi32, #tpu.memory_space<vmem>>[vector<16xi32>], vector<16xi32>, vector<16xi1>
    %add3A_928 = arith.constant 16 : i32
    %add3A_929 = vector.broadcast %add3A_928 : i32 to vector<16xi32>
    %add3A_930 = arith.addi %add3A_929, %iota3A : vector<16xi32>
    %get3A_931 = arith.constant 16 : index
    %get3A_932 = tpu.vector_load %arg15[%get3A_931] {strides = array<i32>} : memref<48xi32, #tpu.memory_space<vmem>>, vector<16xi32>,
    %lt3A_933 = arith.cmpi slt, %add3A_930, %add3A_692 : vector<16xi32>
    %lt3A_934 = vector.broadcast %sub3A_909 : i32 to vector<16xi32>
    %lt3A_935 = arith.cmpi slt, %add3A_930, %lt3A_934 : vector<16xi32>
    %and3A_936 = arith.andi %lt3A_933, %lt3A_935 : vector<16xi1>
    %sub3A_937 = vector.broadcast %mul3A_0 : i32 to vector<16xi32>
    %sub3A_938 = arith.subi %get3A_932, %sub3A_937 : vector<16xi32>
    %jit3A_939 = arith.constant 0 : i32
    %jit3A_940 = arith.constant 511 : i32
    %max3A_941 = vector.broadcast %jit3A_939 : i32 to vector<16xi32>
    %max3A_942 = arith.maxsi %max3A_941, %sub3A_938 : vector<16xi32>
    %min3A_943 = vector.broadcast %jit3A_940 : i32 to vector<16xi32>
    %min3A_944 = arith.minsi %min3A_943, %max3A_942 : vector<16xi32>
    tpu.vector_store_idx %arg13[%min3A_944], %broadcast_in_dim3A_911 masked %and3A_936 : memref<512xi32, #tpu.memory_space<vmem>>[vector<16xi32>], vector<16xi32>, vector<16xi1>
    %dma_start3A_945 = tpu.memref_slice %arg7[%mul3A_0] : memref<8192xi32, #tpu.memory_space<hbm>> -> memref<512xi32, #tpu.memory_space<hbm>>
    %dma_start3A_946 = tpu.memref_slice %arg7[%mul3A_0] : memref<8192xi32, #tpu.memory_space<hbm>> -> memref<512xi32, #tpu.memory_space<hbm>>
    tpu.enqueue_dma source(%arg13 : memref<512xi32, #tpu.memory_space<vmem>>) target(%dma_start3A_946 : memref<512xi32, #tpu.memory_space<hbm>>) target_semaphore(%arg28 : memref<!tpu.dma_semaphore, #tpu.memory_space<semaphore_mem>>)
    %dma_wait3A_947 = tpu.memref_slice %arg8[%mul3A_0] : memref<8192xi32, #tpu.memory_space<hbm>> -> memref<512xi32, #tpu.memory_space<hbm>>
    %dma_wait3A_948 = tpu.memref_slice %arg3[%mul3A_0] : memref<8192xi32, #tpu.memory_space<hbm>> -> memref<512xi32, #tpu.memory_space<hbm>>
    tpu.wait_dma2 semaphore(%arg29 : memref<!tpu.dma_semaphore, #tpu.memory_space<semaphore_mem>>) src(%dma_wait3A_948 : memref<512xi32, #tpu.memory_space<hbm>>) dst(%dma_wait3A_947 : memref<512xi32, #tpu.memory_space<hbm>>)
    %barrier3A_949 = arith.constant 0 : index
    tpu.barrier barrier_id(%barrier3A_949)
    %eq3A_950 = arith.constant 4 : i32
    %eq3A_951 = arith.cmpi eq, %arg1, %eq3A_950 : i32
    %convert_element_type3A_952 = arith.extui %eq3A_951 : i1 to i32
    %cond3A_953 = arith.constant 0 : i32
    %cond3A_954 = arith.cmpi ne, %convert_element_type3A_952, %cond3A_953 : i32
    scf.if %cond3A_954 {
      "tpu.region"() ({
        %run_scoped3A = tpu.sem_alloc : memref<!tpu.dma_semaphore, #tpu.memory_space<semaphore_mem>>
        tpu.enqueue_dma source(%arg27 : memref<48xi32, #tpu.memory_space<vmem_shared>>) target(%arg19 : memref<48xi32, #tpu.memory_space<vmem>>) target_semaphore(%run_scoped3A : memref<!tpu.dma_semaphore, #tpu.memory_space<semaphore_mem>>)
        tpu.wait_dma2 semaphore(%run_scoped3A : memref<!tpu.dma_semaphore, #tpu.memory_space<semaphore_mem>>) src(%arg27 : memref<48xi32, #tpu.memory_space<vmem_shared>>) dst(%arg19 : memref<48xi32, #tpu.memory_space<vmem>>)
        tpu.yield
      }) : () -> ()
      %min3A_962 = arith.constant 47 : i32
      %min3A_963 = vector.broadcast %min3A_962 : i32 to vector<16xi32>
      %min3A_964 = arith.minsi %sub3A_819, %min3A_963 : vector<16xi32>
      %gather3A_965 = tpu.vector_load_idx %arg19[%min3A_964] : memref<48xi32, #tpu.memory_space<vmem>>[vector<16xi32>], vector<16xi32>,
      %min3A_966 = arith.constant 47 : i32
      %min3A_967 = vector.broadcast %min3A_966 : i32 to vector<16xi32>
      %min3A_968 = arith.minsi %add3A_828, %min3A_967 : vector<16xi32>
      %gather3A_969 = tpu.vector_load_idx %arg19[%min3A_968] : memref<48xi32, #tpu.memory_space<vmem>>[vector<16xi32>], vector<16xi32>,
      %lt3A_970 = vector.broadcast %min3A_880 : i32 to vector<16xi32>
      %lt3A_971 = arith.cmpi slt, %sub3A_819, %lt3A_970 : vector<16xi32>
      %and3A_972 = arith.andi %gt3A_804, %lt3A_971 : vector<16xi1>
      %lt3A_973 = vector.broadcast %min3A_880 : i32 to vector<16xi32>
      %lt3A_974 = arith.cmpi slt, %add3A_828, %lt3A_973 : vector<16xi32>
      %and3A_975 = arith.andi %gt3A_805, %lt3A_974 : vector<16xi1>
      %get3A_976 = arith.constant 0 : index
      %get3A_977 = tpu.vector_load %arg22[%get3A_976] {strides = array<i32>} : memref<32xi32, #tpu.memory_space<vmem>>, vector<16xi32>,
      %get3A_978 = arith.constant 16 : index
      %get3A_979 = tpu.vector_load %arg22[%get3A_978] {strides = array<i32>} : memref<32xi32, #tpu.memory_space<vmem>>, vector<16xi32>,
      %select_n3A_980 = arith.select %and3A_972, %gather3A_965, %get3A_977 : vector<16xi1>, vector<16xi32>
      %swap3A_981 = arith.constant 0 : index
      %swap3A_982 = tpu.vector_load %arg22[%swap3A_981] {strides = array<i32>} : memref<32xi32, #tpu.memory_space<vmem>>, vector<16xi32>,
      tpu.vector_store %arg22[%swap3A_981], %select_n3A_980 {strides = array<i32>} : memref<32xi32, #tpu.memory_space<vmem>>, vector<16xi32>,
      %select_n3A_983 = arith.select %and3A_975, %gather3A_969, %get3A_979 : vector<16xi1>, vector<16xi32>
      %swap3A_984 = arith.constant 16 : index
      %swap3A_985 = tpu.vector_load %arg22[%swap3A_984] {strides = array<i32>} : memref<32xi32, #tpu.memory_space<vmem>>, vector<16xi32>,
      tpu.vector_store %arg22[%swap3A_984], %select_n3A_983 {strides = array<i32>} : memref<32xi32, #tpu.memory_space<vmem>>, vector<16xi32>,
      "tpu.region"() ({
        %run_scoped3A = tpu.sem_alloc : memref<!tpu.dma_semaphore, #tpu.memory_space<semaphore_mem>>
        tpu.enqueue_dma source(%arg22 : memref<32xi32, #tpu.memory_space<vmem>>) target(%arg11 : memref<32xi32, #tpu.memory_space<hbm>>) target_semaphore(%run_scoped3A : memref<!tpu.dma_semaphore, #tpu.memory_space<semaphore_mem>>)
        tpu.wait_dma2 semaphore(%run_scoped3A : memref<!tpu.dma_semaphore, #tpu.memory_space<semaphore_mem>>) src(%arg22 : memref<32xi32, #tpu.memory_space<vmem>>) dst(%arg11 : memref<32xi32, #tpu.memory_space<hbm>>)
        tpu.yield
      }) : () -> ()
    } else {
    }
    %eq3A_955 = arith.constant 0 : i32
    %eq3A_956 = arith.cmpi eq, %arg1, %eq3A_955 : i32
    %convert_element_type3A_957 = arith.extui %eq3A_956 : i1 to i32
    %cond3A_958 = arith.constant 0 : i32
    %cond3A_959 = arith.cmpi ne, %convert_element_type3A_957, %cond3A_958 : i32
    scf.if %cond3A_959 {
      "tpu.region"() ({
        %run_scoped3A = tpu.sem_alloc : memref<!tpu.dma_semaphore, #tpu.memory_space<semaphore_mem>>
        tpu.enqueue_dma source(%arg27 : memref<48xi32, #tpu.memory_space<vmem_shared>>) target(%arg19 : memref<48xi32, #tpu.memory_space<vmem>>) target_semaphore(%run_scoped3A : memref<!tpu.dma_semaphore, #tpu.memory_space<semaphore_mem>>)
        tpu.wait_dma2 semaphore(%run_scoped3A : memref<!tpu.dma_semaphore, #tpu.memory_space<semaphore_mem>>) src(%arg27 : memref<48xi32, #tpu.memory_space<vmem_shared>>) dst(%arg19 : memref<48xi32, #tpu.memory_space<vmem>>)
        tpu.yield
      }) : () -> ()
      %min3A_962 = arith.constant 47 : i32
      %min3A_963 = vector.broadcast %min3A_962 : i32 to vector<16xi32>
      %min3A_964 = arith.minsi %sub3A_819, %min3A_963 : vector<16xi32>
      %gather3A_965 = tpu.vector_load_idx %arg19[%min3A_964] : memref<48xi32, #tpu.memory_space<vmem>>[vector<16xi32>], vector<16xi32>,
      %min3A_966 = arith.constant 47 : i32
      %min3A_967 = vector.broadcast %min3A_966 : i32 to vector<16xi32>
      %min3A_968 = arith.minsi %add3A_828, %min3A_967 : vector<16xi32>
      %gather3A_969 = tpu.vector_load_idx %arg19[%min3A_968] : memref<48xi32, #tpu.memory_space<vmem>>[vector<16xi32>], vector<16xi32>,
      %lt3A_970 = vector.broadcast %min3A_880 : i32 to vector<16xi32>
      %lt3A_971 = arith.cmpi slt, %sub3A_819, %lt3A_970 : vector<16xi32>
      %and3A_972 = arith.andi %gt3A_804, %lt3A_971 : vector<16xi1>
      %lt3A_973 = vector.broadcast %min3A_880 : i32 to vector<16xi32>
      %lt3A_974 = arith.cmpi slt, %add3A_828, %lt3A_973 : vector<16xi32>
      %and3A_975 = arith.andi %gt3A_805, %lt3A_974 : vector<16xi1>
      %get3A_976 = arith.constant 0 : index
      %get3A_977 = tpu.vector_load %arg25[%get3A_976] {strides = array<i32>} : memref<32xi32, #tpu.memory_space<vmem>>, vector<16xi32>,
      %get3A_978 = arith.constant 16 : index
      %get3A_979 = tpu.vector_load %arg25[%get3A_978] {strides = array<i32>} : memref<32xi32, #tpu.memory_space<vmem>>, vector<16xi32>,
      %select_n3A_980 = arith.select %and3A_972, %gather3A_965, %get3A_977 : vector<16xi1>, vector<16xi32>
      %swap3A_981 = arith.constant 0 : index
      %swap3A_982 = tpu.vector_load %arg25[%swap3A_981] {strides = array<i32>} : memref<32xi32, #tpu.memory_space<vmem>>, vector<16xi32>,
      tpu.vector_store %arg25[%swap3A_981], %select_n3A_980 {strides = array<i32>} : memref<32xi32, #tpu.memory_space<vmem>>, vector<16xi32>,
      %select_n3A_983 = arith.select %and3A_975, %gather3A_969, %get3A_979 : vector<16xi1>, vector<16xi32>
      %swap3A_984 = arith.constant 16 : index
      %swap3A_985 = tpu.vector_load %arg25[%swap3A_984] {strides = array<i32>} : memref<32xi32, #tpu.memory_space<vmem>>, vector<16xi32>,
      tpu.vector_store %arg25[%swap3A_984], %select_n3A_983 {strides = array<i32>} : memref<32xi32, #tpu.memory_space<vmem>>, vector<16xi32>,
      %dma_start3A_986 = arith.constant 0 : i32
      %dma_start3A_987 = tpu.memref_slice %arg8[%dma_start3A_986] : memref<8192xi32, #tpu.memory_space<hbm>> -> memref<8192xi32, #tpu.memory_space<hbm>>
      tpu.enqueue_indirect_dma source(%arg25 : memref<32xi32, #tpu.memory_space<vmem>>) target(%dma_start3A_987 : memref<8192xi32, #tpu.memory_space<hbm>>) offsets(%arg24 : memref<32xi32, #tpu.memory_space<vmem>>) semaphore(%arg32 : memref<!tpu.dma_semaphore, #tpu.memory_space<semaphore_mem>>)
      %dma_wait3A_988 = arith.constant 0 : i32
      %dma_wait3A_989 = tpu.memref_slice %arg8[%dma_wait3A_988] : memref<8192xi32, #tpu.memory_space<hbm>> -> memref<8192xi32, #tpu.memory_space<hbm>>
      tpu.wait_indirect_dma semaphore(%arg32 : memref<!tpu.dma_semaphore, #tpu.memory_space<semaphore_mem>>) src(%arg25 : memref<32xi32, #tpu.memory_space<vmem>>) dst(%dma_wait3A_989 : memref<8192xi32, #tpu.memory_space<hbm>>)
    } else {
    }
    %dma_wait3A_960 = tpu.memref_slice %arg7[%mul3A_0] : memref<8192xi32, #tpu.memory_space<hbm>> -> memref<512xi32, #tpu.memory_space<hbm>>
    %dma_wait3A_961 = tpu.memref_slice %arg7[%mul3A_0] : memref<8192xi32, #tpu.memory_space<hbm>> -> memref<512xi32, #tpu.memory_space<hbm>>
    tpu.wait_dma2 semaphore(%arg28 : memref<!tpu.dma_semaphore, #tpu.memory_space<semaphore_mem>>) src(%arg13 : memref<512xi32, #tpu.memory_space<vmem>>) dst(%dma_wait3A_961 : memref<512xi32, #tpu.memory_space<hbm>>)
    return
  }
}

</mosaic_0001>

<sc_bundles>
// kernel: kernel.3.cloned.1.call-start
scs
__scs_entry_jumppad:
0x0: {  	(pc) =	sbr.rel $0x88, $3  }
0x1: {  	(tag) =	ssettag $0x0;
	lr =	simm.s32 $0x1  }
0x2: {  	[smem:$0x3F9C] =	sst lr;
	_ =	strace $0xD0000000  }
0x3: {  	_ = 	snop  }
0x4: {  	_ = 	snop  }
0x5: {  	_ = 	snop  }
0x6: {  	_ = 	snop  }
0x7: {  	_ = 	snop  }
__scs_overlays_trampoline_lowered:
0x8: {  	[smem:$0x3FAB] =	sst s0  }
0x9: {  	[smem:$0x3FAC] =	sst s1  }
0xa: {  	[smem:$0x3FAD] =	sst s2  }
0xb: {  	[smem:$0x3FAE] =	sst s3  }
0xc: {  	[smem:$0x3FAF] =	sst s4  }
0xd: {  	[smem:$0x3FB0] =	sst s5  }
0xe: {  	[smem:$0x3FB1] =	sst s6  }
0xf: {  	[smem:$0x3FB2] =	sst s7  }
0x10: {  	[smem:$0x3FB3] =	sst s8  }
0x11: {  	[smem:$0x3FB4] =	sst s9;
	s0 =	simm.s32 @!p0 $0x0  }
0x12: {  	s1 =	sld [smem:$0x3F9A];
	s0 =	simm.s32 @p0 $0x1  }
0x13: {  	[smem:$0x3FB5] =	sst s0;
	s0 =	simm.s32 @!p1 $0x0  }
0x14: {  	s2 =	sld [smem:$0x3F99];
	s0 =	simm.s32 @p1 $0x1  }
0x15: {  	[smem:$0x3FB6] =	sst s0;
	s0 =	simm.s32 @!p2 $0x0  }
0x16: {  	s3 =	sld [smem:$0x3FDB];
	s0 =	simm.s32 @p2 $0x1  }
0x17: {  	s4 =	simm.s32 $0x1BF5;
	[smem:$0x3FB8] =	sst s0  }
0x18: {  	s0 =	sld [smem:$0x3F9B];
	_ =	swait.ge [sflag:s4], $0x0  }
0x19: {  	s7 =	sld [smem:$0x3F9C]  }
0x1a: {  	s8 =	sadd.s32 $0xFFFFE003, lr  }
0x1b: {  	s9 =	sadd.s32 $0xFFFFFEF7, lr;
	s5 =	simm.s32 $0xFFFFFFFF;
	p2 =	slt.u32 s8, $0xFFFFF086  }
0x1c: {  	p1 =	slt.u32 s9, $0xF7A;
	s5 =	simm.s32 @!p2 $0x0  }
0x1d: {  	s5 =	simm.s32 @p1 $0x1;
	p0 =	seq.s32 s7, s2  }
0x1e: {  	s7 =	smul.u32 @!p0 $0xF7A, s2;
	p2 =	seq.s32 @!p0 s5, $0x0  }
0x1f: {  	s9 =	smul.u32 $0xF7A, s1;
	s8 =	simm.s32 @!p0 $0x1BF5;
	p2 =	por !p2, p0  }
0x20: {  	[sflag:s8] =	ssyncset.s32 @!p0 $0xFFFFF086;
	s6 =	sadd.s32 @!p0 s3, s7;
	s7 =	simm.s32 @!p0 $0x108  }
0x21: {  	s3 =	sadd.s32 s3, s9;
	s6 =	sadd.s32 @!p0 $0x88, s6;
	s7 =	simm.s32 @p2 $0x1082  }
0x22: {  	[simem:s7], [sflag:s8] =	dma.local @!p0 [hbm:s6], $0xF7A  }
0x23: {  	s9 =	sor.u32 $0xD0000000, s2;
	s6 =	simm.s32 $0x108;
	_ =	swait.ge @!p0 [sflag:s8], $0x0  }
0x24: {  	s3 =	sadd.s32 $0x88, s3;
	s6 =	simm.s32 @!p1 $0x1082;
	[sflag:s4] =	ssyncset.s32 $0xFFFFF086  }
0x25: {  	[simem:s6], [sflag:s4] =	dma.local [hbm:s3], $0xF7A  }
0x26: {  	[smem:$0x3F9C] =	sst s1;
	(tag) =	ssettag s2;
	_ =	strace s9  }
0x27: {  	s1 =	sld [smem:$0x3FAC]  }
0x28: {  	s2 =	sld [smem:$0x3FAD]  }
0x29: {  	s4 =	sld [smem:$0x3FAF]  }
0x2a: {  	p0 =	seq.s32 s5, $0x0;
	s5 =	sld [smem:$0x3FB0]  }
0x2b: {  	s6 =	sld [smem:$0x3FB1]  }
0x2c: {  	s7 =	sld [smem:$0x3FB2]  }
0x2d: {  	s3 =	simm.s32 $0x108;
	s8 =	sld [smem:$0x3FB3]  }
0x2e: {  	s3 =	simm.s32 @!p0 $0x1082;
	s9 =	sld [smem:$0x3FB4]  }
0x2f: {  	lr =	sadd.s32 s0, s3;
	s0 =	sld [smem:$0x3FAB]  }
0x30: {  	s3 =	sld [smem:$0x3FAE]  }
0x31: {  	[smem:$0x3FB7] =	sst s10  }
0x32: {  	s10 =	sld [smem:$0x3FB5];
	_ =	sdelay $0x3  }
0x33: {  	p0 =	seq.s32 s10, $0x1;
	s10 =	sld [smem:$0x3FB7];
	_ =	sdelay $0x3  }
0x34: {  	[smem:$0x3FB7] =	sst s10  }
0x35: {  	s10 =	sld [smem:$0x3FB6];
	_ =	sdelay $0x3  }
0x36: {  	p1 =	seq.s32 s10, $0x1;
	s10 =	sld [smem:$0x3FB7];
	_ =	sdelay $0x3  }
0x37: {  	[smem:$0x3FB7] =	sst s10  }
0x38: {  	s10 =	sld [smem:$0x3FB8]  }
0x39: {  	_ = 	snop;
	(pc) =	sbr.ind lr, $3  }
0x3a: {  	_ = 	snop  }
0x3b: {  	_ = 	snop  }
0x3c: {  	p2 =	seq.s32 s10, $0x1;
	s10 =	sld [smem:$0x3FB7]  }
0x3d: {  	_ =	shalt  }
0x3e: {  	_ =	shalt  }
0x3f: {  	_ =	shalt  }
0x40: {  	_ =	shalt  }
0x41: {  	_ =	shalt  }
0x42: {  	_ =	shalt  }
0x43: {  	_ =	shalt  }
0x44: {  	_ =	shalt  }
0x45: {  	_ =	shalt  }
0x46: {  	_ =	shalt  }
0x47: {  	_ =	shalt  }
0x48: {  	_ =	shalt  }
0x49: {  	_ =	shalt  }
0x4a: {  	_ =	shalt  }
0x4b: {  	_ =	shalt  }
0x4c: {  	_ =	shalt  }
0x4d: {  	_ =	shalt  }
0x4e: {  	_ =	shalt  }
0x4f: {  	_ =	shalt  }
0x50: {  	_ =	shalt  }
0x51: {  	_ =	shalt  }
0x52: {  	_ =	shalt  }
0x53: {  	_ =	shalt  }
0x54: {  	_ =	shalt  }
0x55: {  	_ =	shalt  }
0x56: {  	_ =	shalt  }
0x57: {  	_ =	shalt  }
0x58: {  	_ =	shalt  }
0x59: {  	_ =	shalt  }
0x5a: {  	_ =	shalt  }
0x5b: {  	_ =	shalt  }
0x5c: {  	_ =	shalt  }
0x5d: {  	_ =	shalt  }
0x5e: {  	_ =	shalt  }
0x5f: {  	_ =	shalt  }
0x60: {  	_ =	shalt  }
0x61: {  	_ =	shalt  }
0x62: {  	_ =	shalt  }
0x63: {  	_ =	shalt  }
0x64: {  	_ =	shalt  }
0x65: {  	_ =	shalt  }
0x66: {  	_ =	shalt  }
0x67: {  	_ =	shalt  }
0x68: {  	_ =	shalt  }
0x69: {  	_ =	shalt  }
0x6a: {  	_ =	shalt  }
0x6b: {  	_ =	shalt  }
0x6c: {  	_ =	shalt  }
0x6d: {  	_ =	shalt  }
0x6e: {  	_ =	shalt  }
0x6f: {  	_ =	shalt  }
0x70: {  	_ =	shalt  }
0x71: {  	_ =	shalt  }
0x72: {  	_ =	shalt  }
0x73: {  	_ =	shalt  }
0x74: {  	_ =	shalt  }
0x75: {  	_ =	shalt  }
0x76: {  	_ =	shalt  }
0x77: {  	_ =	shalt  }
0x78: {  	_ =	shalt  }
0x79: {  	_ =	shalt  }
0x7a: {  	_ =	shalt  }
0x7b: {  	_ =	shalt  }
0x7c: {  	_ =	shalt  }
0x7d: {  	_ =	shalt  }
0x7e: {  	_ =	shalt  }
0x7f: {  	_ =	shalt  }
0x80: {  	_ =	shalt  }
0x81: {  	_ =	shalt  }
0x82: {  	_ =	shalt  }
0x83: {  	_ =	shalt  }
0x84: {  	_ =	shalt  }
0x85: {  	_ =	shalt  }
0x86: {  	_ =	shalt  }
0x87: {  	_ =	shalt  }
.Lfunc_end0:
.L_simem_size_0:
called_computation_lowered:
.L_overlay_start_0:
0x88: {  	s0 =	sld [smem:$0x3FD9]  }
0x89: {  	s1 =	sld [smem:$0x3FFE];
	_ =	sdelay $0x3  }
0x8a: {  	s0 =	sadd.s32 s1, s0  }
0x8b: {  	[smem:$0x3FC3] =	sst s0  }
0x8c: {  	_ = 	snop  }
0x8d: {  	s31 =	sld [smem:$0x3FC9]  }
0x8e: {  	s0 =	sld [smem:$0x3FD0]  }
0x8f: {  	s2 =	sld [smem:$0x3FC7]  }
0x90: {  	s3 =	sld [smem:$0x3FC6]  }
0x91: {  	s5 =	simm.s32 $0xA;
	s6 =	simm.s32 $0x10;
	s4 =	sld [smem:$0x3FC5]  }
0x92: {  	[smem:s6], [sflag:s5] =	dma.local [hbm:s0], $0x1  }
0x93: {  	_ =	swait.eq [sflag:s5], $0x1  }
0x94: {  	s15 =	sld [smem:$0x10]  }
0x95: {  	s7 =	sld [smem:$0x11]  }
0x96: {  	s8 =	sld [smem:$0x12]  }
0x97: {  	s9 =	sld [smem:$0x13];
	[sflag:s5] =	ssyncset.done $0x0  }
0x98: {  	s10 =	sld [smem:$0x14];
	[sflag:s5] =	ssyncadd.s32 $0xFFFFFFFF  }
0x99: {  	s16 =	sld [smem:$0x15];
	(tm) =	ssettm $0x1  }
0x9a: {  	s17 =	sld [smem:$0x3FFB];
	_ =	sdelay $0x3  }
0x9b: {  	_ =	strace s17  }
0x9c: {  	s0 =	sld [smem:$0x3FFC];
	_ =	sdelay $0x3  }
0x9d: {  	_ =	strace s0  }
0x9e: {  	s0 =	sld [smem:$0x3FFD];
	_ =	sdelay $0x3  }
0x9f: {  	_ =	strace s0  }
0xa0: {  	_ =	strace $0x8FFFFFFF  }
0xa1: {  	s18 =	sld [smem:$0x3FDB];
	_ =	sdelay $0x1  }
0xa2: {  	s11 =	simm.s32 $_scs_section_size  }
0xa3: {  	s12 =	simm.s32 $_size__tile_overlayer_lowered;
	s13 =	simm.s32 $_tile_overlayer_lowered  }
0xa4: {  	s14 =	simm.s32 $0x1BFF;
	s19 =	sshll.u32 s13, $0x1;
	s11 =	sadd.s32 s11, s18  }
0xa5: {  	s20 =	simm.s32 $0x0;
	s12 =	sshll.u32 s12, $0x1;
	s13 =	sadd.s32 s19, s11  }
0xa6: {  	[timem:s20], [sflag:s14] =	dma.local [hbm:s13], s12  }
0xa7: {  	_ =	swait.ge [sflag:s14], s12  }
0xa8: {  	s12 =	ssub.s32 $0x0, s12;
	[sflag:s14] =	ssyncset.done $0x0  }
0xa9: {  	[sflag:s14] =	ssyncadd.s32 s12;
	_ =	sdelay $0x1  }
0xaa: {  	s21 =	simm.s32 $0x1B8B  }
0xab: {  	_ =	swait.ge [sflag:s21], $0x1  }
0xac: {  	[sflag:s21] =	ssyncset.done $0x0  }
0xad: {  	s23 =	simm.s32 $0x1B8E;
	s22 =	sld [smem:$0x3FFE];
	[sflag:s21] =	ssyncadd.s32 $0xFFFFFFFF  }
0xae: {  	s24 =	simm.s32 $execute0_lowered;
	[smem:$0x3FD2] =	sst s23  }
0xaf: {  	s13 =	sshll.u32 s24, $0x1;
	_ =	strace $0x80000046;
	[dreg:$0x1] =	wrdreg $0xFFFFFFFF  }
0xb0: {  	s25 =	simm.s32 $_size_execute0_lowered;
	s11 =	sadd.s32 s11, s13;
	[dreg:$0x0] =	wrdreg $0x0  }
0xb1: {  	s13 =	sshll.u32 s25, $0x1;
	[dreg:$0x2] =	wrdreg s11  }
0xb2: {  	[dreg:$0x3] =	wrdreg s13  }
0xb3: {  	[dreg:$0x4] =	wrdreg $0xC0  }
0xb4: {  	_ =	task [dreg:s20], $0x5FFFF  }
0xb5: {  	[dreg:$0x1] =	wrdreg $0xFFFFFFFF  }
0xb6: {  	[dreg:$0x0] =	wrdreg $0x60  }
0xb7: {  	[dreg:$0x2] =	wrdreg s31  }
0xb8: {  	[dreg:$0x3] =	wrdreg s7  }
0xb9: {  	[dreg:$0x4] =	wrdreg s2  }
0xba: {  	[dreg:$0x5] =	wrdreg s3  }
0xbb: {  	[dreg:$0x6] =	wrdreg s4  }
0xbc: {  	[dreg:$0x7] =	wrdreg s15  }
0xbd: {  	[dreg:$0x8] =	wrdreg s22  }
0xbe: {  	[dreg:$0x9] =	wrdreg s8  }
0xbf: {  	[dreg:$0xa] =	wrdreg s9  }
0xc0: {  	[dreg:$0xb] =	wrdreg s10  }
0xc1: {  	[dreg:$0xc] =	wrdreg s16  }
0xc2: {  	[dreg:$0xd] =	wrdreg $0x8000  }
0xc3: {  	[dreg:$0xe] =	wrdreg $0x8100  }
0xc4: {  	[dreg:$0xf] =	wrdreg $0x9  }
0xc5: {  	_ =	task.clear_ibuf [dreg:s20], $0x10FFFF;
	_ =	strace $0x90000046  }
0xc6: {  	s26 =	simm.s32 $0x9;
	_ =	strace $0x80000048  }
0xc7: {  	_ =	swait.ge [sflag:s26], $0x1  }
0xc8: {  	[sflag:s26] =	ssyncadd.s32 $0xFFFFFFFF  }
0xc9: {  	_ =	strace $0x90000048  }
0xca: {  	_ =	sfence  }
0xcb: {  	s28 =	sld [smem:$0x0];
	_ =	sdelay $0x1  }
0xcc: {  	s29 =	srdreg.scid  }
0xcd: {  	s30 =	sshll.u32 s29, $0xD;
	s31 =	sshrl.u32 s29, $0x2  }
0xce: {  	s2 =	sand.u32 $0x1, s29;
	s3 =	sand.u32 $0x4000, s30;
	s1 =	sadd.s32 s31, s28  }
0xcf: {  	s2 =	sor.u32 s3, s2;
	s1 =	sshll.u32 s1, $0x11  }
0xd0: {  	s1 =	sor.u32 s1, s2  }
0xd1: {  	s1 =	sadd.s32 $0x8F2B, s1  }
0xd2: {  	[sflag:s1] =	ssyncadd.remote.s32 $0x1  }
0xd3: {  	_ =	sfence.sel $0xFFFF  }
0xd4: {  	[dreg:$0x0] =	wrdreg $0xFFFFFFFF;
	(pc) =	sbr.abs _section_cstart, $3  }
0xd5: {  	[dreg:$0x1] =	wrdreg $0xFFFFFFFF  }
0xd6: {  	_ =	task.clear_ibuf [dreg:s20], $0x2FFFF;
	_ =	strace $0x9FFFFFFF  }
0xd7: {  	(tm) =	ssettm $0x7FFFFFFF  }
tec
execute0_lowered:
.L_overlay_start_1:
0x0: {  	(tag) =	ssettag $0x1  }
0x1: {  	s13 =	rddreg [dreg:$0x0]  }
0x2: {  	s8 =	rddreg [dreg:$0x1]  }
0x3: {  	s14 =	rddreg [dreg:$0x2]  }
0x4: {  	s15 =	rddreg [dreg:$0x3]  }
0x5: {  	s6 =	rddreg [dreg:$0x4]  }
0x6: {  	s11 =	rddreg [dreg:$0x5]  }
0x7: {  	s2 =	rddreg [dreg:$0x6]  }
0x8: {  	s7 =	rddreg [dreg:$0x7]  }
0x9: {  	s10 =	rddreg [dreg:$0x8]  }
0xa: {  	s4 =	rddreg [dreg:$0x9]  }
0xb: {  	s9 =	rddreg [dreg:$0xa]  }
0xc: {  	s5 =	rddreg [dreg:$0xb]  }
0xd: {  	s3 =	rddreg [dreg:$0xc]  }
0xe: {  	s0 =	rddreg [dreg:$0xd];
	s16 =	simm.s32 $0x0;
	s1 =	stileid.u32  }
0xf: {  	[smem:$0x7FF] =	sst s16;
	s12 =	sshll.u32 s1, $0x6  }
0x10: {  	s2 =	sadd.s32 $0x800, s2;
	_ =	strace $0x80000047;
	s13 =	sadd.s32 s13, s12  }
0x11: {  	s17 =	sadd.s32 s2, s12;
	s18 =	sadd.s32 s8, s12;
	s19 =	sor.u32 $0x1C02, s12  }
0x12: {  	[tilespmem:s16], [sflag:$0x1] =	stream.linear.gather [hbm4b:s13+s16], $0x200, $0x38;
	[tilespmem:$0x818] =	vst v63  }
0x13: {  	[hbm:s17], [sflag:s19] =	dma.local [hbm:s18], $0x40  }
0x14: {  	s19 =	simm.s32 $0x500  }
0x15: {  	[tilespmem:s19], [sflag:$0x3] =	stream.linear.gather [hbm4b:s14+s16], $0x80, $0x38;
	[tilespmem:$0x818] =	vst v63  }
0x16: {  	s20 =	simm.s32 $0x580;
	s21 =	simm.s32 $0x1  }
0x17: {  	[tilespmem:s20], [sflag:$0x4] =	stream.linear.gather [hbm4b:s15+s16], $0x80, $0x38;
	[tilespmem:$0x818] =	vst v63  }
0x18: {  	_ =	swait.ge [sflag:s21], $0x200  }
0x19: {  	[sflag:s21] =	ssyncset.done $0x0  }
0x1a: {  	[sflag:s21] =	ssyncadd.s32 $0xFFFFFE00  }
0x1b: {  	v0 =	vld [tilespmem:$0x0]  }
0x1c: {  	v2 =	vld [tilespmem:$0x10]  }
0x1d: {  	v3 =	vld [tilespmem:$0x20]  }
0x1e: {  	v4 =	vld [tilespmem:$0x30]  }
0x1f: {  	v5 =	vld [tilespmem:$0x40]  }
0x20: {  	v6 =	vld [tilespmem:$0x50]  }
0x21: {  	v7 =	vld [tilespmem:$0x60]  }
0x22: {  	v1 =	vlaneseq.u32;
	s13 =	sshll.u32 s1, $0x9;
	v8 =	vld [tilespmem:$0x70]  }
0x23: {  	v9 =	vor.u32 s13, v1;
	s22 =	sor.u32 $0x10, s13  }
0x24: {  	v10 =	vor.u32 s22, v1;
	vm7 =	veq.s32 v0, $0x0;
	vm6 =	veq.s32 v2, $0x0  }
0x25: {  	vm5 =	veq.s32 v3, $0x0;
	vm4 =	veq.s32 v4, $0x0;
	vm3 =	veq.s32 v5, $0x0  }
0x26: {  	vm2 =	veq.s32 v6, $0x0;
	vm1 =	veq.s32 v7, $0x0;
	v0 =	vimm.s32 $0x0  }
0x27: {  	vm0 =	veq.s32 v8, $0x0;
	v2 =	vsel vm7, $0x1, v0;
	v3 =	vsel vm6, $0xFFFFFFFF, v0  }
0x28: {  	v4 =	vsel vm6, $0x1, v0;
	v5 =	vsel vm5, $0xFFFFFFFF, v0;
	v6 =	vsel vm5, $0x1, v0;
	(xrf0) =	vadd.scan.msk.s32 $0xffff, v2  }
0x29: {  	v7 =	vsel vm4, $0xFFFFFFFF, v0;
	v8 =	vsel vm4, $0x1, v0;
	v11 =	vsel vm3, $0xFFFFFFFF, v0;
	(xrf0) =	vadd.scan.msk.s32 $0xffff, v4  }
0x2a: {  	v12 =	vmpcnt.ones.xlane vm7;
	v13 =	vmpcnt.ones.xlane vm6;
	v14 =	vsel vm2, $0xFFFFFFFF, v0  }
0x2b: {  	v15 =	vsel vm2, $0x1, v0;
	v16 =	vsel vm1, $0xFFFFFFFF, v0;
	(xrf0) =	vadd.scan.msk.s32 $0xffff, v6;
	v6 =	vmpcnt.ones.xlane vm5  }
0x2c: {  	v4 =	vsel vm3, $0x1, v0;
	v13 =	vadd.s32 v12, v13;
	(xrf0) =	vadd.scan.msk.s32 $0xffff, v8;
	v8 =	vmpcnt.ones.xlane vm4  }
0x2d: {  	v17 =	vsel vm1, $0x1, v0;
	(xrf0) =	vadd.scan.msk.s32 $0xffff, v4;
	v4 =	vmpcnt.ones.xlane vm3;
	v6 =	vadd.s32 v6, v13  }
0x2e: {  	v18 =	vsel vm0, $0xFFFFFFFF, v0;
	v20 =	vmpcnt.ones.xlane vm2;
	v8 =	vadd.s32 v8, v6;
	v19, _, _ =	vpop (xrf0)  }
0x2f: {  	v21 =	vsel vm0, $0x1, v0;
	(xrf0) =	vadd.scan.msk.s32 $0xffff, v15;
	v15 =	vmpcnt.ones.xlane vm1;
	v4 =	vadd.s32 v4, v8;
	v22, _, _ =	vpop (xrf0)  }
0x30: {  	(xrf0) =	vadd.scan.msk.s32 $0xffff, v17;
	v32 =	vadd.s32 v20, v4;
	v2 =	vsub.s32 v19, v2;
	v3 =	vadd.s32 v3, v22  }
0x31: {  	v33, _, _ =	vpop (xrf0);
	(xrf0) =	vadd.scan.msk.s32 $0xffff, v21;
	v15 =	vadd.s32 v15, v32;
	vm8 =	vlt.s32 v2, $0x2F;
	v3 =	vadd.s32 v12, v3  }
0x32: {  	v12, _, _ =	vpop (xrf0);
	v2 =	vnsel vm8, $0x2F, v2;
	v5 =	vadd.s32 v5, v33;
	vm15 =	vlt.s32 v3, $0x2F  }
0x33: {  	v34, _, _ =	vpop (xrf0);
	v5 =	vadd.s32 v13, v5;
	v7 =	vadd.s32 v7, v12;
	v3 =	vnsel vm15, $0x2F, v3  }
0x34: {  	vm12 =	vlt.s32 v5, $0x2F;
	v6 =	vadd.s32 v6, v7;
	v7 =	vadd.s32 v11, v34  }
0x35: {  	v11, _, _ =	vpop (xrf0);
	v5 =	vnsel vm12, $0x2F, v5;
	vm13 =	vlt.s32 v6, $0x2F;
	v7 =	vadd.s32 v8, v7  }
0x36: {  	v8, _, _ =	vpop (xrf0);
	v6 =	vnsel vm13, $0x2F, v6;
	vm14 =	vlt.s32 v7, $0x2F;
	v11 =	vadd.s32 v14, v11  }
0x37: {  	v12, _, _ =	vpop (xrf0);
	v7 =	vnsel vm14, $0x2F, v7;
	v4 =	vadd.s32 v4, v11;
	v8 =	vadd.s32 v16, v8  }
0x38: {  	s14 =	simm.s32 $0x200;
	vm15 =	vlt.s32 v4, $0x2F;
	v8 =	vadd.s32 v32, v8;
	v11 =	vadd.s32 v18, v12  }
0x39: {  	s23 =	sor.u32 $0x20, s13;
	[tilespmem:v2+s14+$0x0] =	vst.idx.msk vm7, v9;
	v2 =	vnsel vm15, $0x2F, v4;
	vm12 =	vlt.s32 v8, $0x2F;
	v4 =	vadd.s32 v15, v11  }
0x3a: {  	s24 =	sor.u32 $0x30, s13;
	v9 =	vor.u32 s23, v1;
	[tilespmem:v3+s14+$0x0] =	vst.idx.msk vm6, v10;
	v3 =	vnsel vm12, $0x2F, v8;
	vm13 =	vlt.s32 v4, $0x2F  }
0x3b: {  	s25 =	sor.u32 $0x40, s13;
	v8 =	vor.u32 s24, v1;
	[tilespmem:v5+s14+$0x0] =	vst.idx.msk vm5, v9;
	v4 =	vnsel vm13, $0x2F, v4  }
0x3c: {  	s26 =	sor.u32 $0x50, s13;
	v5 =	vor.u32 s25, v1;
	[tilespmem:v6+s14+$0x0] =	vst.idx.msk vm4, v8  }
0x3d: {  	s28 =	sor.u32 $0x60, s13;
	v6 =	vor.u32 s26, v1;
	[tilespmem:v7+s14+$0x0] =	vst.idx.msk vm3, v5  }
0x3e: {  	s29 =	sor.u32 $0x70, s13;
	v5 =	vor.u32 s28, v1;
	[tilespmem:v2+s14+$0x0] =	vst.idx.msk vm2, v6  }
0x3f: {  	v2 =	vor.u32 s29, v1;
	[tilespmem:v3+s14+$0x0] =	vst.idx.msk vm1, v5  }
0x40: {  	[tilespmem:v4+s14+$0x0] =	vst.idx.msk vm0, v2  }
0x41: {  	v2 =	vld [tilespmem:$0x80]  }
0x42: {  	v3 =	vld [tilespmem:$0x90]  }
0x43: {  	v4 =	vld [tilespmem:$0xA0]  }
0x44: {  	v5 =	vld [tilespmem:$0xB0]  }
0x45: {  	v6 =	vld [tilespmem:$0xC0]  }
0x46: {  	v7 =	vld [tilespmem:$0xD0]  }
0x47: {  	v8 =	vld [tilespmem:$0xE0]  }
0x48: {  	s31 =	sor.u32 $0x90, s13;
	v9 =	vmpcnt.ones.xlane vm0;
	v10 =	vld [tilespmem:$0xF0]  }
0x49: {  	s30 =	sor.u32 $0x80, s13;
	v12 =	vor.u32 s31, v1  }
0x4a: {  	v11 =	vor.u32 s30, v1;
	v9 =	vadd.s32 v9, v15;
	vm7 =	veq.s32 v2, $0x0  }
0x4b: {  	vm6 =	veq.s32 v3, $0x0;
	vm5 =	veq.s32 v4, $0x0;
	vm4 =	veq.s32 v5, $0x0  }
0x4c: {  	vm3 =	veq.s32 v6, $0x0;
	vm2 =	veq.s32 v7, $0x0;
	vm1 =	veq.s32 v8, $0x0  }
0x4d: {  	vm0 =	veq.s32 v10, $0x0;
	v2 =	vsel vm7, $0xFFFFFFFF, v0;
	v3 =	vsel vm7, $0x1, v0  }
0x4e: {  	v4 =	vsel vm6, $0xFFFFFFFF, v0;
	v5 =	vsel vm6, $0x1, v0;
	v6 =	vsel vm5, $0xFFFFFFFF, v0  }
0x4f: {  	v7 =	vsel vm5, $0x1, v0;
	v8 =	vsel vm4, $0xFFFFFFFF, v0;
	v10 =	vsel vm4, $0x1, v0;
	(xrf0) =	vadd.scan.msk.s32 $0xffff, v3  }
0x50: {  	v13 =	vsel vm3, $0x1, v0;
	v14 =	vsel vm2, $0xFFFFFFFF, v0;
	(xrf0) =	vadd.scan.msk.s32 $0xffff, v5;
	v5 =	vmpcnt.ones.xlane vm7  }
0x51: {  	v15 =	vsel vm2, $0x1, v0;
	v35 =	vmpcnt.ones.xlane vm6;
	v36 =	vsel vm1, $0xFFFFFFFF, v0  }
0x52: {  	v37 =	vsel vm1, $0x1, v0;
	(xrf0) =	vadd.scan.msk.s32 $0xffff, v7;
	v7 =	vmpcnt.ones.xlane vm5;
	v5 =	vadd.s32 v9, v5  }
0x53: {  	v38 =	vsel vm0, $0xFFFFFFFF, v0;
	(xrf0) =	vadd.scan.msk.s32 $0xffff, v10;
	v10 =	vmpcnt.ones.xlane vm4;
	v16 =	vadd.s32 v35, v5  }
0x54: {  	v39 =	vsel vm0, $0x1, v0;
	(xrf0) =	vadd.scan.msk.s32 $0xffff, v13;
	v13 =	vmpcnt.ones.xlane vm3;
	v7 =	vadd.s32 v7, v16  }
0x55: {  	v41 =	vmpcnt.ones.xlane vm2;
	v3 =	vsel vm3, $0xFFFFFFFF, v0;
	v40, _, _ =	vpop (xrf0);
	v10 =	vadd.s32 v10, v7  }
0x56: {  	v2 =	vadd.s32 v2, v9;
	(xrf0) =	vadd.scan.msk.s32 $0xffff, v15;
	v15 =	vmpcnt.ones.xlane vm1;
	v23, _, _ =	vpop (xrf0);
	v13 =	vadd.s32 v13, v10  }
0x57: {  	(xrf0) =	vadd.scan.msk.s32 $0xffff, v37;
	v2 =	vadd.s32 v40, v2;
	v9 =	vadd.s32 v41, v13;
	v4 =	vadd.s32 v4, v23  }
0x58: {  	v42, _, _ =	vpop (xrf0);
	(xrf0) =	vadd.scan.msk.s32 $0xffff, v39;
	vm14 =	vlt.s32 v2, $0x2F;
	v15 =	vadd.s32 v15, v9;
	v4 =	vadd.s32 v5, v4  }
0x59: {  	v5, _, _ =	vpop (xrf0);
	v2 =	vnsel vm14, $0x2F, v2;
	v6 =	vadd.s32 v6, v42;
	vm15 =	vlt.s32 v4, $0x2F  }
0x5a: {  	v43, _, _ =	vpop (xrf0);
	v6 =	vadd.s32 v16, v6;
	v5 =	vadd.s32 v8, v5;
	v4 =	vnsel vm15, $0x2F, v4  }
0x5b: {  	vm12 =	vlt.s32 v6, $0x2F;
	v5 =	vadd.s32 v7, v5;
	v3 =	vadd.s32 v3, v43  }
0x5c: {  	v7, _, _ =	vpop (xrf0);
	v6 =	vnsel vm12, $0x2F, v6;
	vm13 =	vlt.s32 v5, $0x2F;
	v3 =	vadd.s32 v10, v3  }
0x5d: {  	v8, _, _ =	vpop (xrf0);
	v5 =	vnsel vm13, $0x2F, v5;
	vm14 =	vlt.s32 v3, $0x2F;
	v7 =	vadd.s32 v14, v7  }
0x5e: {  	v10, _, _ =	vpop (xrf0);
	v3 =	vnsel vm14, $0x2F, v3;
	v7 =	vadd.s32 v13, v7;
	v8 =	vadd.s32 v36, v8  }
0x5f: {  	vm15 =	vlt.s32 v7, $0x2F;
	v8 =	vadd.s32 v9, v8;
	v9 =	vadd.s32 v38, v10  }
0x60: {  	s16 =	sor.u32 $0xA0, s13;
	[tilespmem:v2+s14+$0x0] =	vst.idx.msk vm7, v11;
	v2 =	vnsel vm15, $0x2F, v7;
	vm12 =	vlt.s32 v8, $0x2F;
	v7 =	vadd.s32 v15, v9  }
0x61: {  	s17 =	sor.u32 $0xB0, s13;
	v9 =	vor.u32 s16, v1;
	[tilespmem:v4+s14+$0x0] =	vst.idx.msk vm6, v12;
	v4 =	vnsel vm12, $0x2F, v8;
	vm13 =	vlt.s32 v7, $0x2F  }
0x62: {  	s18 =	sor.u32 $0xC0, s13;
	v8 =	vor.u32 s17, v1;
	[tilespmem:v6+s14+$0x0] =	vst.idx.msk vm5, v9;
	v6 =	vnsel vm13, $0x2F, v7  }
0x63: {  	s19 =	sor.u32 $0xD0, s13;
	v7 =	vor.u32 s18, v1;
	[tilespmem:v5+s14+$0x0] =	vst.idx.msk vm4, v8  }
0x64: {  	s20 =	sor.u32 $0xE0, s13;
	v5 =	vor.u32 s19, v1;
	[tilespmem:v3+s14+$0x0] =	vst.idx.msk vm3, v7  }
0x65: {  	s21 =	sor.u32 $0xF0, s13;
	v3 =	vor.u32 s20, v1;
	[tilespmem:v2+s14+$0x0] =	vst.idx.msk vm2, v5  }
0x66: {  	v2 =	vor.u32 s21, v1;
	[tilespmem:v4+s14+$0x0] =	vst.idx.msk vm1, v3  }
0x67: {  	[tilespmem:v6+s14+$0x0] =	vst.idx.msk vm0, v2  }
0x68: {  	v2 =	vld [tilespmem:$0x100]  }
0x69: {  	v3 =	vld [tilespmem:$0x110]  }
0x6a: {  	v4 =	vld [tilespmem:$0x120]  }
0x6b: {  	v5 =	vld [tilespmem:$0x130]  }
0x6c: {  	v6 =	vld [tilespmem:$0x140]  }
0x6d: {  	v7 =	vld [tilespmem:$0x150]  }
0x6e: {  	v8 =	vld [tilespmem:$0x160]  }
0x6f: {  	s22 =	sor.u32 $0x100, s13;
	v9 =	vmpcnt.ones.xlane vm0;
	v10 =	vld [tilespmem:$0x170]  }
0x70: {  	s23 =	sor.u32 $0x110, s13;
	v11 =	vor.u32 s22, v1  }
0x71: {  	v12 =	vor.u32 s23, v1;
	v9 =	vadd.s32 v9, v15;
	vm7 =	veq.s32 v2, $0x0  }
0x72: {  	vm6 =	veq.s32 v3, $0x0;
	vm5 =	veq.s32 v4, $0x0;
	vm4 =	veq.s32 v5, $0x0  }
0x73: {  	vm3 =	veq.s32 v6, $0x0;
	vm2 =	veq.s32 v7, $0x0;
	vm1 =	veq.s32 v8, $0x0  }
0x74: {  	vm0 =	veq.s32 v10, $0x0;
	v2 =	vsel vm7, $0xFFFFFFFF, v0;
	v3 =	vsel vm7, $0x1, v0  }
0x75: {  	v4 =	vsel vm6, $0xFFFFFFFF, v0;
	v5 =	vsel vm6, $0x1, v0;
	v6 =	vsel vm5, $0xFFFFFFFF, v0  }
0x76: {  	v7 =	vsel vm5, $0x1, v0;
	v8 =	vsel vm4, $0xFFFFFFFF, v0;
	v10 =	vsel vm4, $0x1, v0;
	(xrf0) =	vadd.scan.msk.s32 $0xffff, v3  }
0x77: {  	v13 =	vsel vm3, $0x1, v0;
	v14 =	vsel vm2, $0xFFFFFFFF, v0;
	(xrf0) =	vadd.scan.msk.s32 $0xffff, v5;
	v5 =	vmpcnt.ones.xlane vm7  }
0x78: {  	v15 =	vsel vm2, $0x1, v0;
	v44 =	vmpcnt.ones.xlane vm6;
	v45 =	vsel vm1, $0xFFFFFFFF, v0  }
0x79: {  	v46 =	vsel vm1, $0x1, v0;
	(xrf0) =	vadd.scan.msk.s32 $0xffff, v7;
	v7 =	vmpcnt.ones.xlane vm5;
	v5 =	vadd.s32 v9, v5  }
0x7a: {  	v47 =	vsel vm0, $0xFFFFFFFF, v0;
	(xrf0) =	vadd.scan.msk.s32 $0xffff, v10;
	v10 =	vmpcnt.ones.xlane vm4;
	v16 =	vadd.s32 v44, v5  }
0x7b: {  	v48 =	vsel vm0, $0x1, v0;
	(xrf0) =	vadd.scan.msk.s32 $0xffff, v13;
	v13 =	vmpcnt.ones.xlane vm3;
	v7 =	vadd.s32 v7, v16  }
0x7c: {  	v50 =	vmpcnt.ones.xlane vm2;
	v3 =	vsel vm3, $0xFFFFFFFF, v0;
	v49, _, _ =	vpop (xrf0);
	v10 =	vadd.s32 v10, v7  }
0x7d: {  	v2 =	vadd.s32 v2, v9;
	(xrf0) =	vadd.scan.msk.s32 $0xffff, v15;
	v15 =	vmpcnt.ones.xlane vm1;
	v51, _, _ =	vpop (xrf0);
	v13 =	vadd.s32 v13, v10  }
0x7e: {  	(xrf0) =	vadd.scan.msk.s32 $0xffff, v46;
	v2 =	vadd.s32 v49, v2;
	v9 =	vadd.s32 v50, v13;
	v4 =	vadd.s32 v4, v51  }
0x7f: {  	v52, _, _ =	vpop (xrf0);
	(xrf0) =	vadd.scan.msk.s32 $0xffff, v48;
	vm14 =	vlt.s32 v2, $0x2F;
	v15 =	vadd.s32 v15, v9;
	v4 =	vadd.s32 v5, v4  }
0x80: {  	v5, _, _ =	vpop (xrf0);
	v2 =	vnsel vm14, $0x2F, v2;
	v6 =	vadd.s32 v6, v52;
	vm15 =	vlt.s32 v4, $0x2F  }
0x81: {  	v53, _, _ =	vpop (xrf0);
	v6 =	vadd.s32 v16, v6;
	v5 =	vadd.s32 v8, v5;
	v4 =	vnsel vm15, $0x2F, v4  }
0x82: {  	vm12 =	vlt.s32 v6, $0x2F;
	v5 =	vadd.s32 v7, v5;
	v3 =	vadd.s32 v3, v53  }
0x83: {  	v7, _, _ =	vpop (xrf0);
	v6 =	vnsel vm12, $0x2F, v6;
	vm13 =	vlt.s32 v5, $0x2F;
	v3 =	vadd.s32 v10, v3  }
0x84: {  	v8, _, _ =	vpop (xrf0);
	v5 =	vnsel vm13, $0x2F, v5;
	vm14 =	vlt.s32 v3, $0x2F;
	v7 =	vadd.s32 v14, v7  }
0x85: {  	v10, _, _ =	vpop (xrf0);
	v3 =	vnsel vm14, $0x2F, v3;
	v7 =	vadd.s32 v13, v7;
	v8 =	vadd.s32 v45, v8  }
0x86: {  	vm15 =	vlt.s32 v7, $0x2F;
	v8 =	vadd.s32 v9, v8;
	v9 =	vadd.s32 v47, v10  }
0x87: {  	s24 =	sor.u32 $0x120, s13;
	[tilespmem:v2+s14+$0x0] =	vst.idx.msk vm7, v11;
	v2 =	vnsel vm15, $0x2F, v7;
	vm12 =	vlt.s32 v8, $0x2F;
	v7 =	vadd.s32 v15, v9  }
0x88: {  	s25 =	sor.u32 $0x130, s13;
	v9 =	vor.u32 s24, v1;
	[tilespmem:v4+s14+$0x0] =	vst.idx.msk vm6, v12;
	v4 =	vnsel vm12, $0x2F, v8;
	vm13 =	vlt.s32 v7, $0x2F  }
0x89: {  	s26 =	sor.u32 $0x140, s13;
	v8 =	vor.u32 s25, v1;
	[tilespmem:v6+s14+$0x0] =	vst.idx.msk vm5, v9;
	v6 =	vnsel vm13, $0x2F, v7  }
0x8a: {  	s28 =	sor.u32 $0x150, s13;
	v7 =	vor.u32 s26, v1;
	[tilespmem:v5+s14+$0x0] =	vst.idx.msk vm4, v8  }
0x8b: {  	s29 =	sor.u32 $0x160, s13;
	v5 =	vor.u32 s28, v1;
	[tilespmem:v3+s14+$0x0] =	vst.idx.msk vm3, v7  }
0x8c: {  	s30 =	sor.u32 $0x170, s13;
	v3 =	vor.u32 s29, v1;
	[tilespmem:v2+s14+$0x0] =	vst.idx.msk vm2, v5  }
0x8d: {  	v2 =	vor.u32 s30, v1;
	[tilespmem:v4+s14+$0x0] =	vst.idx.msk vm1, v3  }
0x8e: {  	[tilespmem:v6+s14+$0x0] =	vst.idx.msk vm0, v2  }
0x8f: {  	v2 =	vld [tilespmem:$0x180]  }
0x90: {  	v3 =	vld [tilespmem:$0x190]  }
0x91: {  	v4 =	vld [tilespmem:$0x1A0]  }
0x92: {  	v5 =	vld [tilespmem:$0x1B0]  }
0x93: {  	v6 =	vld [tilespmem:$0x1C0]  }
0x94: {  	v7 =	vld [tilespmem:$0x1D0]  }
0x95: {  	v8 =	vld [tilespmem:$0x1E0]  }
0x96: {  	s31 =	sor.u32 $0x180, s13;
	v9 =	vmpcnt.ones.xlane vm0;
	v10 =	vld [tilespmem:$0x1F0]  }
0x97: {  	s16 =	sor.u32 $0x190, s13;
	v11 =	vor.u32 s31, v1  }
0x98: {  	v12 =	vor.u32 s16, v1;
	v9 =	vadd.s32 v9, v15;
	vm7 =	veq.s32 v2, $0x0  }
0x99: {  	vm6 =	veq.s32 v3, $0x0;
	vm5 =	veq.s32 v4, $0x0;
	vm4 =	veq.s32 v5, $0x0  }
0x9a: {  	vm3 =	veq.s32 v6, $0x0;
	vm2 =	veq.s32 v7, $0x0;
	vm1 =	veq.s32 v8, $0x0  }
0x9b: {  	vm0 =	veq.s32 v10, $0x0;
	v2 =	vsel vm7, $0xFFFFFFFF, v0;
	v3 =	vsel vm7, $0x1, v0  }
0x9c: {  	v4 =	vsel vm6, $0xFFFFFFFF, v0;
	v5 =	vsel vm6, $0x1, v0;
	v6 =	vsel vm5, $0xFFFFFFFF, v0  }
0x9d: {  	v7 =	vsel vm5, $0x1, v0;
	v8 =	vsel vm4, $0xFFFFFFFF, v0;
	v10 =	vsel vm4, $0x1, v0;
	(xrf0) =	vadd.scan.msk.s32 $0xffff, v3  }
0x9e: {  	v13 =	vsel vm3, $0x1, v0;
	v14 =	vsel vm2, $0xFFFFFFFF, v0;
	(xrf0) =	vadd.scan.msk.s32 $0xffff, v5;
	v5 =	vmpcnt.ones.xlane vm7  }
0x9f: {  	v15 =	vsel vm2, $0x1, v0;
	v54 =	vmpcnt.ones.xlane vm6;
	v55 =	vsel vm1, $0xFFFFFFFF, v0  }
0xa0: {  	v56 =	vsel vm1, $0x1, v0;
	(xrf0) =	vadd.scan.msk.s32 $0xffff, v7;
	v7 =	vmpcnt.ones.xlane vm5;
	v5 =	vadd.s32 v9, v5  }
0xa1: {  	v57 =	vsel vm0, $0xFFFFFFFF, v0;
	(xrf0) =	vadd.scan.msk.s32 $0xffff, v10;
	v10 =	vmpcnt.ones.xlane vm4;
	v16 =	vadd.s32 v54, v5  }
0xa2: {  	v58 =	vsel vm0, $0x1, v0;
	(xrf0) =	vadd.scan.msk.s32 $0xffff, v13;
	v13 =	vmpcnt.ones.xlane vm3;
	v7 =	vadd.s32 v7, v16  }
0xa3: {  	v60 =	vmpcnt.ones.xlane vm2;
	v3 =	vsel vm3, $0xFFFFFFFF, v0;
	v59, _, _ =	vpop (xrf0);
	v10 =	vadd.s32 v10, v7  }
0xa4: {  	v2 =	vadd.s32 v2, v9;
	(xrf0) =	vadd.scan.msk.s32 $0xffff, v15;
	v15 =	vmpcnt.ones.xlane vm1;
	v61, _, _ =	vpop (xrf0);
	v13 =	vadd.s32 v13, v10  }
0xa5: {  	(xrf0) =	vadd.scan.msk.s32 $0xffff, v56;
	v2 =	vadd.s32 v59, v2;
	v9 =	vadd.s32 v60, v13;
	v4 =	vadd.s32 v4, v61  }
0xa6: {  	v62, _, _ =	vpop (xrf0);
	(xrf0) =	vadd.scan.msk.s32 $0xffff, v58;
	vm14 =	vlt.s32 v2, $0x2F;
	v15 =	vadd.s32 v15, v9;
	v4 =	vadd.s32 v5, v4  }
0xa7: {  	v5, _, _ =	vpop (xrf0);
	v2 =	vnsel vm14, $0x2F, v2;
	v6 =	vadd.s32 v6, v62;
	vm15 =	vlt.s32 v4, $0x2F  }
0xa8: {  	v63, _, _ =	vpop (xrf0);
	v6 =	vadd.s32 v16, v6;
	v5 =	vadd.s32 v8, v5;
	v4 =	vnsel vm15, $0x2F, v4  }
0xa9: {  	vm12 =	vlt.s32 v6, $0x2F;
	v5 =	vadd.s32 v7, v5;
	v3 =	vadd.s32 v3, v63  }
0xaa: {  	v7, _, _ =	vpop (xrf0);
	v6 =	vnsel vm12, $0x2F, v6;
	vm13 =	vlt.s32 v5, $0x2F;
	v3 =	vadd.s32 v10, v3  }
0xab: {  	v8, _, _ =	vpop (xrf0);
	v5 =	vnsel vm13, $0x2F, v5;
	vm14 =	vlt.s32 v3, $0x2F;
	v7 =	vadd.s32 v14, v7  }
0xac: {  	v10, _, _ =	vpop (xrf0);
	v3 =	vnsel vm14, $0x2F, v3;
	v7 =	vadd.s32 v13, v7;
	v8 =	vadd.s32 v55, v8  }
0xad: {  	vm15 =	vlt.s32 v7, $0x2F;
	v8 =	vadd.s32 v9, v8;
	v9 =	vadd.s32 v57, v10  }
0xae: {  	s17 =	sor.u32 $0x1A0, s13;
	[tilespmem:v2+s14+$0x0] =	vst.idx.msk vm7, v11;
	v2 =	vnsel vm15, $0x2F, v7;
	vm10 =	vlt.s32 v8, $0x2F;
	v7 =	vadd.s32 v15, v9  }
0xaf: {  	s18 =	sor.u32 $0x1B0, s13;
	v9 =	vor.u32 s17, v1;
	[tilespmem:v4+s14+$0x0] =	vst.idx.msk vm6, v12;
	v4 =	vnsel vm10, $0x2F, v8;
	vm11 =	vlt.s32 v7, $0x2F  }
0xb0: {  	s19 =	sor.u32 $0x1C0, s13;
	v8 =	vor.u32 s18, v1;
	[tilespmem:v6+s14+$0x0] =	vst.idx.msk vm5, v9;
	v7 =	vnsel vm11, $0x2F, v7  }
0xb1: {  	s20 =	sor.u32 $0x1D0, s13;
	v6 =	vor.u32 s19, v1;
	[tilespmem:v5+s14+$0x0] =	vst.idx.msk vm4, v8  }
0xb2: {  	s21 =	sor.u32 $0x1E0, s13;
	v5 =	vor.u32 s20, v1;
	[tilespmem:v3+s14+$0x0] =	vst.idx.msk vm3, v6  }
0xb3: {  	s22 =	sor.u32 $0x1F0, s13;
	v3 =	vor.u32 s21, v1;
	v6 =	vmpcnt.ones.xlane vm0;
	[tilespmem:v2+s14+$0x0] =	vst.idx.msk vm2, v5  }
0xb4: {  	v1 =	vor.u32 s22, v1;
	[tilespmem:v4+s14+$0x0] =	vst.idx.msk vm1, v3  }
0xb5: {  	s23 =	sshrl.u32 s12, $0x2;
	v6 =	vadd.s32 v6, v15;
	[tilespmem:v7+s14+$0x0] =	vst.idx.msk vm0, v1  }
0xb6: {  	s24 =	sadd.s32 s23, s5;
	s25 =	simm.s32 $0x280;
	s26 =	simm.s32 $0x6;
	[tilespmem:$0x280] =	vst v6  }
0xb7: {  	[spmem:s24] =	stream.linear.scatter [tilespmem:s25], [sflag:$0x6], $0x10, $0x38;
	[tilespmem:$0x818] =	vst v63  }
0xb8: {  	_ =	swait.ge [sflag:s26], $0x10  }
0xb9: {  	[sflag:s26] =	ssyncset.done $0x0  }
0xba: {  	s28 =	simm.s32 $0x3;
	[sflag:s26] =	ssyncadd.s32 $0xFFFFFFF0  }
0xbb: {  	_ =	swait.ge [sflag:s28], $0x80  }
0xbc: {  	[sflag:s28] =	ssyncset.done $0x0  }
0xbd: {  	s29 =	simm.s32 $0x4;
	[sflag:s28] =	ssyncadd.s32 $0xFFFFFF80  }
0xbe: {  	_ =	swait.ge [sflag:s29], $0x80  }
0xbf: {  	[sflag:s29] =	ssyncset.done $0x0  }
0xc0: {  	[sflag:s29] =	ssyncadd.s32 $0xFFFFFF80  }
0xc1: {  	v3 =	vld [tilespmem:$0x500]  }
0xc2: {  	v4 =	vld [tilespmem:$0x510];
	_ =	sdelay $0x3  }
0xc3: {  	v1 =	vld [tilespmem:$0x580];
	vm12 =	vgt.s32 v3, $0x0  }
0xc4: {  	v2 =	vld [tilespmem:$0x590];
	vm13 =	vgt.s32 v4, $0x0;
	v5 =	vsel vm12, $0x1, v0  }
0xc5: {  	v10 =	vadd.s32 v5, v3;
	v3 =	vsel vm13, $0x1, v0  }
0xc6: {  	v9 =	vadd.s32 v3, v4;
	v12 =	vadd.s32 $0x1F, v10  }
0xc7: {  	v3 =	vshra.s32 v12, $0x5;
	v11 =	vadd.s32 $0x1F, v9  }
0xc8: {  	v4 =	vshra.s32 v11, $0x5;
	vm14 =	vgt.s32 v3, v1  }
0xc9: {  	vm15 =	vgt.s32 v4, v2;
	v5 =	vsel vm14, $0x1, v0  }
0xca: {  	v0 =	vsel vm15, $0x1, v0;
	(xrf0) =	vadd.scan.msk.s32 $0xffff, v5  }
0xcb: {  	(xrf0) =	vadd.scan.msk.s32 $0xffff, v0;
	_ =	sdelay $0x4  }
0xcc: {  	v13, _, _ =	vpop (xrf0)  }
0xcd: {  	(v2sf) =	vpush v13, $0xF;
	v8, _, _ =	vpop (xrf0)  }
0xce: {  	(v2sf) =	vpush v8, $0xF;
	_ =	sdelay $0xa  }
0xcf: {  	p0 =	sgt.s32 s1, $0x1  }
.Ltmp0:
0xd0: {  	_ = 	snop;
	(pc) =	sbr.rel @!p0 .LBB2_1-.Ltmp0, $4  }
0xd1: {  	_ = 	snop  }
0xd2: {  	v14 =	vbroadcast v13, $0xF;
	s30 =	spop (v2sf)  }
0xd3: {  	v7 =	vmov s13;
	v0 =	vsub.s32 v8, v0;
	s31 =	spop (v2sf)  }
0xd4: {  	p2 =	por $0x0, $0x0;
	s11 =	sadd.s32 s11, s12;
	v5 =	vsub.s32 v13, v5;
	v8 =	vmov s1;
	v0 =	vadd.s32 v14, v0;
	s12 =	sadd.s32 s30, s31  }
0xd5: {  	p3 =	seq.s32 s1, $0x2  }
0xd6: {  	[tilespmem:$0x580] =	vst @p3 v3  }
0xd7: {  	[tilespmem:$0x590] =	vst @p3 v4;
	s7 =	simm.s32 @p3 $0x0;
	s8 =	simm.s32 @p3 $0x580  }
0xd8: {  	[hbm4b:s10+s7] =	stream.linear.scatter @p3 [tilespmem:s8], [sflag:$0x5], $0x80, $0x38;
	[tilespmem:$0x818] =	vst v63  }
0xd9: {  	p1 =	seq.s32 @!p3 s1, $0x3;
	s7 =	simm.s32 @p3 $0x5  }
0xda: {  	p0 =	por !p1, p3;
	_ =	swait.ge @p3 [sflag:s7], $0x80  }
0xdb: {  	vm0 =	vgt.s32 @!p0 v10, $0x0;
	v10 =	vand.u32 @!p0 $0x1F, v12;
	[sflag:s7] =	ssyncset.done @p3 $0x0  }
0xdc: {  	v10 =	vnsel @!p0 vm0, $0x0, v10;
	vm0 =	vgt.s32 @!p0 v9, $0x0;
	v9 =	vand.u32 @!p0 $0x1F, v11;
	[sflag:s7] =	ssyncadd.s32 @p3 $0xFFFFFF80  }
0xdd: {  	p4 =	por p1, p3;
	v9 =	vnsel @!p0 vm0, $0x0, v9;
	[tilespmem:$0x680] =	vst @!p0 v10  }
0xde: {  	s8 =	simm.s32 @!p0 $0x680;
	p4 =	seq.s32 @!p4 s1, $0x4;
	s7 =	simm.s32 @!p0 $0x0;
	[tilespmem:$0x690] =	vst @!p0 v9  }
0xdf: {  	[hbm4b:s9+s7] =	stream.linear.scatter @!p0 [tilespmem:s8], [sflag:$0x5], $0x80, $0x38;
	[tilespmem:$0x818] =	vst v63  }
0xe0: {  	p1 =	por @!p3 !p4, p1;
	s7 =	simm.s32 @!p0 $0x5  }
0xe1: {  	p4 =	por p1, p3;
	_ =	swait.ge @!p0 [sflag:s7], $0x80  }
0xe2: {  	p1 =	por !p1, p3;
	p5 =	por @!p4 $0x1, $0x1;
	[sflag:s7] =	ssyncset.done @!p0 $0x0  }
0xe3: {  	s8 =	simm.s32 @!p4 $0x600;
	[sflag:s7] =	ssyncadd.s32 @!p0 $0xFFFFFF80;
	s7 =	simm.s32 @!p4 $0x0  }
0xe4: {  	[tilespmem:s8], [sflag:$0x5] =	stream.linear.gather @!p4 [hbm4b:s6+s7], $0x80, $0x38;
	[tilespmem:$0x818] =	vst v63  }
.Ltmp1:
0xe5: {  	p6 =	por @!p4 $0x0, $0x0;
	p5 =	por @!p1 p2, p2;
	(pc) =	sbr.rel .LBB2_3-.Ltmp1, $4  }
0xe6: {  	p6 =	por @!p1 p2, p2;
	p1 =	por @!p0 $0x0, $0x0;
	s6 =	simm.s32 @!p4 $0x5  }
0xe7: {  	p5 =	por @!p0 p1, p1;
	p6 =	por @!p0 p1, p1;
	_ =	swait.ge @!p4 [sflag:s6], $0x80  }
0xe8: {  	p1 =	por @p3 $0x0, $0x0;
	p0 =	por @p3 $0x0, $0x0;
	[sflag:s6] =	ssyncset.done @!p4 $0x0  }
0xe9: {  	p1 =	por @!p3 p5, p5;
	p0 =	por @!p3 p6, p6;
	[sflag:s6] =	ssyncadd.s32 @!p4 $0xFFFFFF80  }
.LBB2_1:
0xea: {  	p3 =	seq.s32 s1, $0x0  }
0xeb: {  	v11 =	vlaneseq.u32 @p3  }
0xec: {  	v11 =	vmul.u32 @p3 $0x100, v11  }
0xed: {  	vm0 =	vgt.s32 @p3 v3, $0x1  }
0xee: {  	v12 =	vnsel @p3 vm0, $0x1, v3;
	vm0 =	vgt.s32 @p3 v4, $0x1;
	v13 =	vadd.s32 @p3 $0xFFFFFFFF, v11  }
0xef: {  	v14 =	vnsel @p3 vm0, $0x1, v4;
	v11 =	vadd.s32 @p3 $0xFFF, v11;
	v12 =	vadd.s32 @p3 v13, v12  }
0xf0: {  	v11 =	vadd.s32 @p3 v11, v14;
	[tilespmem:$0x700] =	vst @p3 v12  }
0xf1: {  	s6 =	simm.s32 @p3 $0x20;
	s9 =	simm.s32 @p3 $0x700;
	s10 =	simm.s32 @p3 $0x780;
	[tilespmem:$0x710] =	vst @p3 v11  }
0xf2: {  	[tilespmem:s10], [sflag:$0x5] =	stream.indirect.gather @p3 [hbm4b:s8+s6], $0x1, s9, s6, $0xb8;
	[tilespmem:$0x818] =	vst v63  }
0xf3: {  	s6 =	simm.s32 @p3 $0x5  }
0xf4: {  	_ =	swait.ge @p3 [sflag:s6], $0x20  }
0xf5: {  	p0 =	seq.s32 @!p3 s1, $0x1;
	[sflag:s6] =	ssyncset.done @p3 $0x0  }
0xf6: {  	p4 =	por !p0, p3;
	[sflag:s6] =	ssyncadd.s32 @p3 $0xFFFFFFE0  }
0xf7: {  	[tilespmem:$0x500] =	vst @!p4 v10  }
0xf8: {  	s8 =	simm.s32 @!p4 $0x500;
	s6 =	simm.s32 @!p4 $0x0;
	[tilespmem:$0x510] =	vst @!p4 v9  }
0xf9: {  	[hbm4b:s7+s6] =	stream.linear.scatter @!p4 [tilespmem:s8], [sflag:$0x5], $0x80, $0x38;
	[tilespmem:$0x818] =	vst v63  }
0xfa: {  	s6 =	simm.s32 @!p4 $0x5  }
0xfb: {  	p1 =	por @p3 $0x0, $0x0;
	p5 =	por @!p4 $0x0, $0x0;
	_ =	swait.ge @!p4 [sflag:s6], $0x80  }
0xfc: {  	p0 =	por @p3 $0x1, $0x1;
	p2 =	por @!p4 p5, p5;
	[sflag:s6] =	ssyncset.done @!p4 $0x0  }
0xfd: {  	p1 =	por @!p3 p2, p2;
	p0 =	por @!p3 p2, p2;
	[sflag:s6] =	ssyncadd.s32 @!p4 $0xFFFFFF80  }
.LBB2_3:
0xfe: {  	v9 =	vlaneseq.u32  }
0xff: {  	v10 =	vmul.u32 $0x10, v9  }
0x100: {  	[bflag:$0x0] =	sbarrier.arrive $0xFFFF;
	s6 =	simm.s32 $0x300;
	s24 =	simm.s32 $0x6  }
0x101: {  	[tilespmem:s6], [sflag:$0x6] =	stream.linear.gather [spmem:s5], $0x100, $0x38;
	[tilespmem:$0x818] =	vst v63  }
0x102: {  	_ =	swait.ge [sflag:s24], $0x100  }
0x103: {  	[sflag:s24] =	ssyncset.done $0x0  }
0x104: {  	[sflag:s24] =	ssyncadd.s32 $0xFFFFFF00  }
0x105: {  	v10 =	vld.idx.msk [tilespmem:v10+s6+$0x0], $0xffff;
	_ =	sdelay $0x4  }
0x106: {  	(xrf0) =	vadd.scan.msk.s32 $0xffff, v10;
	_ =	sdelay $0x5  }
0x107: {  	v11, _, _ =	vpop (xrf0)  }
0x108: {  	vm0 =	veq.s32 v8, v9;
	v12 =	vxor.u32 $0x80000000, v11;
	v54 =	vsub.s32 v11, v10  }
0x109: {  	(xrf0) =	vmax.scan.msk.u32 $0xffff, v12;
	v8 =	vnsel vm0, $0x0, v54  }
0x10a: {  	(xrf0) =	vadd.scan.msk.s32 $0xffff, v8;
	_ =	sdelay $0x4  }
0x10b: {  	v55, _, _ =	vpop (xrf0)  }
0x10c: {  	(v2sf) =	vpush v55, $0xF;
	v56, _, _ =	vpop (xrf0)  }
0x10d: {  	(v2sf) =	vpush v56, $0xF;
	_ =	sdelay $0x4  }
0x10e: {  	v8 =	vbroadcast v56, $0xF;
	_ =	sdelay $0x1  }
0x10f: {  	v58 =	vor.u32 $0x10, v9;
	v57 =	vadd.s32 v9, v8  }
0x110: {  	vm1 =	vgt.s32 v6, v9;
	v8 =	vadd.s32 v58, v8;
	vm2 =	vlt.s32 v57, $0x20  }
0x111: {  	vm10 =	vgt.s32 v6, v58;
	vm3 =	vlt.s32 v8, $0x20;
	vm2 =	vmand vm1, vm2  }
0x112: {  	vm11 =	vmand vm10, vm3;
	v59 =	vnsel vm2, $0x2F, v57  }
0x113: {  	v60 =	vnsel vm11, $0x2F, v8;
	[tilespmem:$0x400] =	vst v59  }
0x114: {  	s7 =	simm.s32 $0x20;
	s8 =	simm.s32 $0x400;
	s9 =	simm.s32 $0x200;
	[tilespmem:$0x410] =	vst v60  }
0x115: {  	[spmem:s3] =	stream.indirect.scatter [tilespmem:s9], [sflag:$0x6], $0x1, s8, s7, $0xb8;
	[tilespmem:$0x818] =	vst v63  }
0x116: {  	s25 =	spop (v2sf)  }
0x117: {  	s26 =	spop (v2sf)  }
0x118: {  	_ =	swait.ge [sflag:s24], $0x20  }
0x119: {  	[sflag:s24] =	ssyncset.done $0x0  }
0x11a: {  	[sflag:s24] =	ssyncadd.s32 $0xFFFFFFE0  }
0x11b: {  	v61 =	vld [tilespmem:$0x200]  }
0x11c: {  	s5 =	sxor.u32 $0x80000000, s25  }
0x11d: {  	p2 =	slt.s32 s12, s5  }
0x11e: {  	s5 =	smov.u32 @p2 s12  }
0x11f: {  	s28 =	ssub.s32 s5, s26  }
0x120: {  	v62 =	vmov s28;
	v6 =	vsub.s32 v61, v7  }
0x121: {  	vm12 =	vgt.s32 v62, v9;
	vm13 =	vgt.s32 v6, $0x0  }
0x122: {  	vm1 =	vmand vm1, vm12;
	v6 =	vnsel vm13, $0x0, v6  }
0x123: {  	v6 =	vmin.u32 v6, $0x1FF;
	_ =	sdelay $0x3  }
0x124: {  	v63 =	vimm.s32 $0x1;
	s29 =	simm.s32 $0x0  }
0x125: {  	[tilespmem:v6+s29+$0x0] =	vst.idx.msk vm1, v63  }
0x126: {  	v6 =	vld [tilespmem:$0x210];
	_ =	sdelay $0x4  }
0x127: {  	v6 =	vsub.s32 v6, v7  }
0x128: {  	vm14 =	vgt.s32 v62, v58;
	vm15 =	vgt.s32 v6, $0x0  }
0x129: {  	vm0 =	vmand vm10, vm14;
	v6 =	vnsel vm15, $0x0, v6  }
0x12a: {  	v6 =	vmin.u32 v6, $0x1FF;
	_ =	sdelay $0x4  }
0x12b: {  	s30 =	simm.s32 $0x2;
	[tilespmem:v6+s29+$0x0] =	vst.idx.msk vm0, v63  }
0x12c: {  	[hbm4b:s11+s29] =	stream.linear.scatter [tilespmem:s29], [sflag:$0x1], $0x200, $0x38;
	[tilespmem:$0x818] =	vst v63  }
0x12d: {  	_ =	swait.ge [sflag:s30], $0x40  }
0x12e: {  	[sflag:s30] =	ssyncset.done $0x0  }
0x12f: {  	vm0 =	vlt.s32 @p1 v5, $0x2F;
	[sflag:s30] =	ssyncadd.s32 $0xFFFFFFC0  }
0x130: {  	s6 =	simm.s32 @p1 $0x480;
	s7 =	simm.s32 @p1 $0x6;
	v6 =	vnsel @p1 vm0, $0x2F, v5;
	vm0 =	vlt.s32 @p1 v0, $0x2F;
	[bflag:$0x0] =	sbarrier.arrive $0xFFFF  }
0x131: {  	v7 =	vnsel @p1 vm0, $0x2F, v0;
	[tilespmem:s6], [sflag:$0x6] =	stream.linear.gather @p1 [spmem:s3], $0x80, $0x38;
	[tilespmem:$0x818] =	vst v63  }
0x132: {  	_ =	swait.ge @p1 [sflag:s7], $0x80  }
0x133: {  	[sflag:s7] =	ssyncset.done @p1 $0x0  }
0x134: {  	[sflag:s7] =	ssyncadd.s32 @p1 $0xFFFFFF80  }
0x135: {  	v6 =	vld.idx.msk @p1 [tilespmem:v6+s6+$0x0], $0xffff  }
0x136: {  	v7 =	vld.idx.msk @p1 [tilespmem:v7+s6+$0x0], $0xffff  }
0x137: {  	v8 =	vld @p1 [tilespmem:$0x600]  }
0x138: {  	v9 =	vld @p1 [tilespmem:$0x610];
	_ =	sdelay $0x1  }
0x139: {  	vm1 =	vlt.s32 @p1 v5, s5;
	vm0 =	vgt.s32 @p1 v3, v1  }
0x13a: {  	vm2 =	vgt.s32 @p1 v4, v2;
	vm0 =	vmand @p1 vm0, vm1;
	vm1 =	vlt.s32 @p1 v0, s5  }
0x13b: {  	vm1 =	vmand @p1 vm2, vm1;
	v6 =	vsel @p1 vm0, v6, v8  }
0x13c: {  	[tilespmem:$0x600] =	vst @p1 v6;
	v6 =	vsel @p1 vm1, v7, v9  }
0x13d: {  	s8 =	simm.s32 @p1 $0x600;
	s6 =	simm.s32 @p1 $0x0;
	[tilespmem:$0x610] =	vst @p1 v6  }
0x13e: {  	[hbm4b:s4+s6] =	stream.linear.scatter @p1 [tilespmem:s8], [sflag:$0x6], $0x80, $0x38;
	[tilespmem:$0x818] =	vst v63  }
0x13f: {  	_ =	swait.ge @p1 [sflag:s7], $0x80  }
0x140: {  	[sflag:s7] =	ssyncset.done @p1 $0x0  }
0x141: {  	vm0 =	vlt.s32 @p0 v5, $0x2F;
	s4 =	simm.s32 @p0 $0x480;
	[sflag:s7] =	ssyncadd.s32 @p1 $0xFFFFFF80  }
0x142: {  	v6 =	vnsel @p0 vm0, $0x2F, v5;
	vm0 =	vlt.s32 @p0 v0, $0x2F;
	[tilespmem:s4], [sflag:$0x6] =	stream.linear.gather @p0 [spmem:s3], $0x80, $0x38;
	[tilespmem:$0x818] =	vst v63  }
0x143: {  	v7 =	vnsel @p0 vm0, $0x2F, v0;
	s3 =	simm.s32 @p0 $0x6  }
0x144: {  	_ =	swait.ge @p0 [sflag:s3], $0x80  }
0x145: {  	[sflag:s3] =	ssyncset.done @p0 $0x0  }
0x146: {  	[sflag:s3] =	ssyncadd.s32 @p0 $0xFFFFFF80  }
0x147: {  	v6 =	vld.idx.msk @p0 [tilespmem:v6+s4+$0x0], $0xffff  }
0x148: {  	v7 =	vld.idx.msk @p0 [tilespmem:v7+s4+$0x0], $0xffff  }
0x149: {  	v8 =	vld @p0 [tilespmem:$0x780]  }
0x14a: {  	v9 =	vld @p0 [tilespmem:$0x790];
	_ =	sdelay $0x1  }
0x14b: {  	vm1 =	vlt.s32 @p0 v5, s5;
	vm0 =	vgt.s32 @p0 v3, v1  }
0x14c: {  	vm2 =	vgt.s32 @p0 v4, v2;
	vm0 =	vmand @p0 vm0, vm1;
	vm1 =	vlt.s32 @p0 v0, s5  }
0x14d: {  	vm1 =	vmand @p0 vm2, vm1;
	v0 =	vsel @p0 vm0, v6, v8  }
0x14e: {  	[tilespmem:$0x780] =	vst @p0 v0;
	v0 =	vsel @p0 vm1, v7, v9  }
0x14f: {  	s5 =	simm.s32 @p0 $0x780;
	s3 =	simm.s32 @p0 $0x20;
	s4 =	simm.s32 @p0 $0x700;
	[tilespmem:$0x790] =	vst @p0 v0  }
0x150: {  	[hbm4b:s2+s3] =	stream.indirect.scatter @p0 [tilespmem:s5], [sflag:$0x5], $0x1, s4, s3, $0xb8;
	[tilespmem:$0x818] =	vst v63  }
0x151: {  	s2 =	simm.s32 @p0 $0x5  }
0x152: {  	_ =	swait.ge @p0 [sflag:s2], $0x20  }
0x153: {  	[sflag:s2] =	ssyncset.done @p0 $0x0  }
0x154: {  	s31 =	simm.s32 $0x1;
	[sflag:s2] =	ssyncadd.s32 @p0 $0xFFFFFFE0  }
0x155: {  	_ =	swait.ge [sflag:s31], $0x200  }
0x156: {  	[sflag:s31] =	ssyncset.done $0x0  }
0x157: {  	[sflag:s31] =	ssyncadd.s32 $0xFFFFFE00  }
0x158: {  	_ =	sfence.sel $0x180000  }
0x159: {  	[bflag:$0x0] =	sbarrier.arrive $0xFFFF  }
0x15a: {  	p0 =	sne.s32 s1, $0x0;
	_ =	strace $0x90000047  }
0x15b: {  	s0 =	sadd.s32 @!p0 $0x100000, s0;
	[bflag:$0x2] =	sbarrier.arrive $0xFFFF  }
0x15c: {  	[sflag:s0] =	ssyncadd.tile.s32 @!p0 $0x1;
	_ =	shalt  }
.Lfunc_end2:
_tile_overlayer_lowered:
.L_overlay_start_2:
0x15d: {  	(tag) =	ssettag $0x2  }
0x15e: {  	s0 =	rddreg [dreg:$0x0];
	s2 =	stileid.u32  }
0x15f: {  	s1 =	rddreg [dreg:$0x1];
	p0 =	sne.s32 s2, $0x0  }
0x160: {  	s3 =	rddreg [dreg:$0x2];
	[bflag:$0x3] =	sbarrier.arrive $0xFFFF;
	s2 =	simm.s32 @!p0 $0x1C06  }
0x161: {  	[timem:s3], [sflag:s2] =	dma.local @!p0 [hbm:s0], s1  }
0x162: {  	s0 =	simm.s32 @!p0 $0x6  }
0x163: {  	_ =	swait.ge @!p0 [sflag:s0], s1  }
0x164: {  	s1 =	ssub.s32 @!p0 $0x0, s1;
	[sflag:s0] =	ssyncset.done @!p0 $0x0  }
0x165: {  	[sflag:s0] =	ssyncadd.s32 @!p0 s1  }
0x166: {  	[bflag:$0x3] =	sbarrier.arrive $0xFFFF  }
0x167: {  	_ =	shalt  }

</sc_bundles>
